<compile_context>
chip_gen: v7x
topology: tpu7x:2x2x1
jax: 0.10.2.dev20260603
libtpu: 0.0.44.dev20260713+nightly
codegen_flags: <defaults>
</compile_context>

<pallas_src>
import functools

import jax
import jax.numpy as jnp
import numpy as np
from jax import lax
from jax.experimental import pallas as pl
from jax.experimental.pallas import tpu as pltpu
from jax.experimental.pallas import tpu_sc as plsc

_B, _S, _D, _SD = 4, 2048, 2048, 64
_INV_SQRT2 = 0.7071067811865476


def _proj_kernel(x_ref, w1_ref, b1_ref, w2_ref, b2_ref, st_ref, x1_ref):
    xv = x_ref[...]
    h = jnp.dot(xv.astype(jnp.bfloat16), w1_ref[...],
                preferred_element_type=jnp.float32)
    h = h + b1_ref[...]
    h = 0.5 * h * (1.0 + lax.erf(h * _INV_SQRT2))
    st = jnp.dot(h.astype(jnp.bfloat16), w2_ref[...],
                 preferred_element_type=jnp.float32)
    st = st + b2_ref[...]
    nrm = jnp.sqrt(jnp.sum(st * st, axis=-1, keepdims=True))
    st_ref[...] = (st / jnp.maximum(nrm, 1e-12)).astype(jnp.bfloat16)
    x1_ref[...] = xv


def _argmax_kernel(stb_ref, full_ref, x_ref, idx_ref, x2_ref, *, rows):
    b = pl.program_id(0)
    a = stb_ref[0]
    f = full_ref[0]
    sim = lax.dot_general(a, f, (((1,), (1,)), ((), ())),
                          preferred_element_type=jnp.float32)
    m = jnp.max(sim, axis=1, keepdims=True)
    ii = lax.broadcasted_iota(jnp.int32, sim.shape, 1)
    first = jnp.min(jnp.where(sim >= m, ii, rows), axis=1)
    idx_ref[0, 0, 0, :] = first + b * rows
    x2_ref[...] = x_ref[...]


def _compute_indices(x_flat, W1, b1, W2, b2):
    BS = _B * _S
    BR1 = 256
    st = pl.pallas_call(
        _proj_kernel,
        grid=(BS // BR1,),
        in_specs=[
            pl.BlockSpec((BR1, _D), lambda i: (i, 0)),
            pl.BlockSpec((_D, 2 * _SD), lambda i: (0, 0)),
            pl.BlockSpec((1, 2 * _SD), lambda i: (0, 0)),
            pl.BlockSpec((2 * _SD, _SD), lambda i: (0, 0)),
            pl.BlockSpec((1, _SD), lambda i: (0, 0)),
        ],
        out_specs=[
            pl.BlockSpec((BR1, _SD), lambda i: (i, 0)),
            pl.BlockSpec((BR1, _D), lambda i: (i, 0)),
        ],
        out_shape=[
            jax.ShapeDtypeStruct((BS, _SD), jnp.bfloat16),
            jax.ShapeDtypeStruct((BS, _D), jnp.float32),
        ],
    )(x_flat, W1.astype(jnp.bfloat16), b1.reshape(1, -1),
      W2.astype(jnp.bfloat16), b2.reshape(1, -1))
    st, x1 = st

    st3 = st.reshape(_B, _S, _SD)
    x3 = x_flat.reshape(_B, _S, _D)
    BR2 = 512
    NB = _S // BR2
    idx, x2 = pl.pallas_call(
        functools.partial(_argmax_kernel, rows=_S),
        grid=(_B, NB),
        in_specs=[
            pl.BlockSpec((1, BR2, _SD), lambda b, r: (b, r, 0)),
            pl.BlockSpec((1, _S, _SD), lambda b, r: (b, 0, 0)),
            pl.BlockSpec((1, BR2, _D), lambda b, r: (b, r, 0)),
        ],
        out_specs=[
            pl.BlockSpec((1, 1, 1, BR2), lambda b, r: (b, r, 0, 0)),
            pl.BlockSpec((1, BR2, _D), lambda b, r: (b, r, 0)),
        ],
        out_shape=[
            jax.ShapeDtypeStruct((_B, NB, 1, BR2), jnp.int32),
            jax.ShapeDtypeStruct((_B, _S, _D), jnp.float32),
        ],
    )(st3, st3, x3)
    return idx.reshape(BS), x1, x2.reshape(BS, _D)


def _copy2_kernel(idx_ref, x_ref, o1_ref, o2_ref):
    del idx_ref
    v = x_ref[...]
    o1_ref[...] = v
    o2_ref[...] = v


def _copy2(x_flat, idx):
    BS, D = x_flat.shape
    BR = 512
    o1, o2 = pl.pallas_call(
        _copy2_kernel,
        grid=(BS // BR,),
        in_specs=[
            pl.BlockSpec(memory_space=pl.ANY),
            pl.BlockSpec((BR, D), lambda i: (i, 0)),
        ],
        out_specs=[
            pl.BlockSpec((BR, D), lambda i: (i, 0)),
            pl.BlockSpec((BR, D), lambda i: (i, 0)),
        ],
        out_shape=[
            jax.ShapeDtypeStruct((BS, D), jnp.float32),
            jax.ShapeDtypeStruct((BS, D), jnp.float32),
        ],
    )(idx, x_flat)
    return o1, o2


def _make_sc_copy(BS, D):
    info = plsc.get_sparse_core_info()
    NC, NS = info.num_cores, info.num_subcores
    NW = NC * NS
    b_per_w = BS // NW
    mesh = plsc.VectorSubcoreMesh(core_axis_name="c", subcore_axis_name="s")

    CH = 32
    n_chunks = b_per_w // CH

    @functools.partial(
        pl.kernel,
        mesh=mesh,
        out_type=jax.ShapeDtypeStruct((BS, D), jnp.float32),
        scratch_types=[
            pltpu.VMEM((CH, D), jnp.float32),
            pltpu.SemaphoreType.DMA,
        ],
    )
    def copyk(x_hbm, out_hbm, rows_v, sem):
        wid = lax.axis_index("s") * NC + lax.axis_index("c")
        base = wid * b_per_w
        for c in range(n_chunks):
            off = base + c * CH
            pltpu.async_copy(x_hbm.at[pl.ds(off, CH)], rows_v, sem).wait()
            pltpu.sync_copy(rows_v, out_hbm.at[pl.ds(off, CH)])

    return copyk


def _make_sc_gather(BS, D):
    info = plsc.get_sparse_core_info()
    NC, NS = info.num_cores, info.num_subcores
    NW = NC * NS
    b_per_w = BS // NW
    CH = 32
    n_chunks = b_per_w // CH
    mesh = plsc.VectorSubcoreMesh(core_axis_name="c", subcore_axis_name="s")

    @functools.partial(
        pl.kernel,
        mesh=mesh,
        out_type=jax.ShapeDtypeStruct((BS, D), jnp.float32),
        scratch_types=[
            pltpu.VMEM((CH,), jnp.int32),
            pltpu.VMEM((CH, D), jnp.float32),
            pltpu.SemaphoreType.DMA,
        ],
    )
    def gather(x_hbm, idx_hbm, out_hbm, idx_v, rows_v, sem):
        wid = lax.axis_index("s") * NC + lax.axis_index("c")
        base = wid * b_per_w
        for c in range(n_chunks):
            off = base + c * CH
            pltpu.sync_copy(idx_hbm.at[pl.ds(off, CH)], idx_v)
            pltpu.async_copy(x_hbm.at[idx_v], rows_v, sem).wait()
            pltpu.sync_copy(rows_v, out_hbm.at[pl.ds(off, CH)])

    return gather


def kernel(x, W1, b1, W2, b2):
    B, S, D = x.shape
    BS = B * S
    x_flat = x.reshape(BS, D)
    idx, x1_flat, x2_flat = _compute_indices(x_flat, W1, b1, W2, b2)
    q_flat = _make_sc_gather(BS, D)(x_flat, idx)
    return (q_flat.reshape(B, S, D), x1_flat.reshape(B, S, D),
            x2_flat.reshape(B, S, D))

# --- scband reference (transcript-rebuilt; emitter-appended) ---
"""Pipeline reference for scband-semantic-similarity-64948495450528 (READ-ONLY COPY).

The authoritative reference and input builder live on the scoring server;
editing this copy changes nothing except your own understanding.
"""

import jax, jax.numpy as jnp
import numpy as np

B, S, D, SD = 4, 2048, 2048, 64

def setup_inputs(seed: int = 0) -> dict:
    key = jax.random.key(seed)
    k0, k1, k2 = jax.random.split(key, 3)
    x = jax.random.normal(k0, (B, S, D), dtype=jnp.float32)
    # semantic_proj params: Linear(D -> 2*SD), GELU, Linear(2*SD -> SD)
    W1 = jax.random.normal(k1, (D, 2 * SD), dtype=jnp.float32) * (1.0 / np.sqrt(D))
    b1 = jnp.zeros((2 * SD,), dtype=jnp.float32)
    W2 = jax.random.normal(k2, (2 * SD, SD), dtype=jnp.float32) * (1.0 / np.sqrt(2 * SD))
    b2 = jnp.zeros((SD,), dtype=jnp.float32)
    return {"x": x, "W1": W1, "b1": b1, "W2": W2, "b2": b2}

def reference(x, W1, b1, W2, b2):
    h = x @ W1 + b1
    h = jax.nn.gelu(h, approximate=False)
    st = h @ W2 + b2
    # F.normalize(p=2, dim=-1, eps=1e-12)
    nrm = jnp.sqrt(jnp.sum(st * st, axis=-1, keepdims=True))
    st = st / jnp.maximum(nrm, 1e-12)
    similarities = jnp.einsum('bsd,btd->bst', st, st)
    k = x.shape[1] // 2
    topk_sim, indices = jax.lax.top_k(similarities, k)
    idx0 = indices[:, :, 0]  # [B, S]
    q = jnp.take_along_axis(x, idx0[:, :, None], axis=1)  # gather along seq dim -> [B, S, D]
    return (q, x, x)

if __name__ == "__main__":
    import jax
    _d = setup_inputs()
    print(jax.jit(kernel)(*tuple(_d.values())))

</pallas_src>

<mosaic_0001>
#map = affine_map<(d0, d1) -> (0, 0)>
#map1 = affine_map<(d0, d1) -> (0)>
module attributes {stable_mosaic.version = 14 : i64} {
  func.func @gather(%arg0: i32, %arg1: i32, %arg2: memref<8192x2048xf32, #tpu.memory_space<hbm>>, %arg3: memref<8192xi32, #tpu.memory_space<hbm>>, %arg4: memref<8192x2048xf32, #tpu.memory_space<hbm>>, %arg5: memref<32xi32, #tpu.memory_space<vmem>>, %arg6: memref<32x2048xf32, #tpu.memory_space<vmem>>, %arg7: memref<!tpu.dma_semaphore, #tpu.memory_space<semaphore_mem>>) attributes {dimension_semantics = [#tpu.dimension_semantics<core_parallel>, #tpu.dimension_semantics<subcore_parallel>], iteration_bounds = array<i64: 2, 16>, scalar_prefetch = 0 : i64, scratch_operands = 3 : i64, tpu.core_type = #tpu.core_type<sc_vector_subcore>, window_params = [{transform_indices = #map}, {transform_indices = #map1}, {transform_indices = #map}]} {
    %mul3A = arith.constant 2 : i32
    %mul3A_0 = arith.muli %arg1, %mul3A : i32
    %add3A = arith.addi %mul3A_0, %arg0 : i32
    %mul3A_1 = arith.constant 256 : i32
    %mul3A_2 = arith.muli %add3A, %mul3A_1 : i32
    %add3A_3 = arith.constant 0 : i32
    %add3A_4 = arith.addi %mul3A_2, %add3A_3 : i32
    "tpu.region"() ({
      %run_scoped3A = tpu.sem_alloc : memref<!tpu.dma_semaphore, #tpu.memory_space<semaphore_mem>>
      %dma_start3A_65 = tpu.memref_slice %arg3[%add3A_4] : memref<8192xi32, #tpu.memory_space<hbm>> -> memref<32xi32, #tpu.memory_space<hbm>>
      %dma_start3A_66 = tpu.memref_slice %arg3[%add3A_4] : memref<8192xi32, #tpu.memory_space<hbm>> -> memref<32xi32, #tpu.memory_space<hbm>>
      tpu.enqueue_dma source(%dma_start3A_66 : memref<32xi32, #tpu.memory_space<hbm>>) target(%arg5 : memref<32xi32, #tpu.memory_space<vmem>>) target_semaphore(%run_scoped3A : memref<!tpu.dma_semaphore, #tpu.memory_space<semaphore_mem>>)
      %dma_wait3A_67 = tpu.memref_slice %arg3[%add3A_4] : memref<8192xi32, #tpu.memory_space<hbm>> -> memref<32xi32, #tpu.memory_space<hbm>>
      %dma_wait3A_68 = tpu.memref_slice %arg3[%add3A_4] : memref<8192xi32, #tpu.memory_space<hbm>> -> memref<32xi32, #tpu.memory_space<hbm>>
      tpu.wait_dma2 semaphore(%run_scoped3A : memref<!tpu.dma_semaphore, #tpu.memory_space<semaphore_mem>>) src(%dma_wait3A_68 : memref<32xi32, #tpu.memory_space<hbm>>) dst(%arg5 : memref<32xi32, #tpu.memory_space<vmem>>)
      tpu.yield
    }) : () -> ()
    %dma_start3A = arith.constant 0 : i32
    %dma_start3A_5 = arith.constant 0 : i32
    %dma_start3A_6 = tpu.memref_slice %arg2[%dma_start3A, %dma_start3A_5] : memref<8192x2048xf32, #tpu.memory_space<hbm>> -> memref<8192x2048xf32, #tpu.memory_space<hbm>>
    tpu.enqueue_indirect_dma source(%dma_start3A_6 : memref<8192x2048xf32, #tpu.memory_space<hbm>>) target(%arg6 : memref<32x2048xf32, #tpu.memory_space<vmem>>) offsets(%arg5 : memref<32xi32, #tpu.memory_space<vmem>>) semaphore(%arg7 : memref<!tpu.dma_semaphore, #tpu.memory_space<semaphore_mem>>)
    %dma_wait3A = arith.constant 0 : i32
    %dma_wait3A_7 = arith.constant 0 : i32
    %dma_wait3A_8 = tpu.memref_slice %arg2[%dma_wait3A, %dma_wait3A_7] : memref<8192x2048xf32, #tpu.memory_space<hbm>> -> memref<8192x2048xf32, #tpu.memory_space<hbm>>
    tpu.wait_indirect_dma semaphore(%arg7 : memref<!tpu.dma_semaphore, #tpu.memory_space<semaphore_mem>>) src(%dma_wait3A_8 : memref<8192x2048xf32, #tpu.memory_space<hbm>>) dst(%arg6 : memref<32x2048xf32, #tpu.memory_space<vmem>>)
    "tpu.region"() ({
      %run_scoped3A = tpu.sem_alloc : memref<!tpu.dma_semaphore, #tpu.memory_space<semaphore_mem>>
      %dma_start3A_65 = arith.constant 0 : i32
      %dma_start3A_66 = tpu.memref_slice %arg4[%add3A_4, %dma_start3A_65] : memref<8192x2048xf32, #tpu.memory_space<hbm>> -> memref<32x2048xf32, #tpu.memory_space<hbm>>
      %dma_start3A_67 = arith.constant 0 : i32
      %dma_start3A_68 = tpu.memref_slice %arg4[%add3A_4, %dma_start3A_67] : memref<8192x2048xf32, #tpu.memory_space<hbm>> -> memref<32x2048xf32, #tpu.memory_space<hbm>>
      tpu.enqueue_dma source(%arg6 : memref<32x2048xf32, #tpu.memory_space<vmem>>) target(%dma_start3A_68 : memref<32x2048xf32, #tpu.memory_space<hbm>>) target_semaphore(%run_scoped3A : memref<!tpu.dma_semaphore, #tpu.memory_space<semaphore_mem>>)
      %dma_wait3A_69 = arith.constant 0 : i32
      %dma_wait3A_70 = tpu.memref_slice %arg4[%add3A_4, %dma_wait3A_69] : memref<8192x2048xf32, #tpu.memory_space<hbm>> -> memref<32x2048xf32, #tpu.memory_space<hbm>>
      %dma_wait3A_71 = arith.constant 0 : i32
      %dma_wait3A_72 = tpu.memref_slice %arg4[%add3A_4, %dma_wait3A_71] : memref<8192x2048xf32, #tpu.memory_space<hbm>> -> memref<32x2048xf32, #tpu.memory_space<hbm>>
      tpu.wait_dma2 semaphore(%run_scoped3A : memref<!tpu.dma_semaphore, #tpu.memory_space<semaphore_mem>>) src(%arg6 : memref<32x2048xf32, #tpu.memory_space<vmem>>) dst(%dma_wait3A_72 : memref<32x2048xf32, #tpu.memory_space<hbm>>)
      tpu.yield
    }) : () -> ()
    %add3A_9 = arith.constant 32 : i32
    %add3A_10 = arith.addi %mul3A_2, %add3A_9 : i32
    "tpu.region"() ({
      %run_scoped3A = tpu.sem_alloc : memref<!tpu.dma_semaphore, #tpu.memory_space<semaphore_mem>>
      %dma_start3A_65 = tpu.memref_slice %arg3[%add3A_10] : memref<8192xi32, #tpu.memory_space<hbm>> -> memref<32xi32, #tpu.memory_space<hbm>>
      %dma_start3A_66 = tpu.memref_slice %arg3[%add3A_10] : memref<8192xi32, #tpu.memory_space<hbm>> -> memref<32xi32, #tpu.memory_space<hbm>>
      tpu.enqueue_dma source(%dma_start3A_66 : memref<32xi32, #tpu.memory_space<hbm>>) target(%arg5 : memref<32xi32, #tpu.memory_space<vmem>>) target_semaphore(%run_scoped3A : memref<!tpu.dma_semaphore, #tpu.memory_space<semaphore_mem>>)
      %dma_wait3A_67 = tpu.memref_slice %arg3[%add3A_10] : memref<8192xi32, #tpu.memory_space<hbm>> -> memref<32xi32, #tpu.memory_space<hbm>>
      %dma_wait3A_68 = tpu.memref_slice %arg3[%add3A_10] : memref<8192xi32, #tpu.memory_space<hbm>> -> memref<32xi32, #tpu.memory_space<hbm>>
      tpu.wait_dma2 semaphore(%run_scoped3A : memref<!tpu.dma_semaphore, #tpu.memory_space<semaphore_mem>>) src(%dma_wait3A_68 : memref<32xi32, #tpu.memory_space<hbm>>) dst(%arg5 : memref<32xi32, #tpu.memory_space<vmem>>)
      tpu.yield
    }) : () -> ()
    %dma_start3A_11 = arith.constant 0 : i32
    %dma_start3A_12 = arith.constant 0 : i32
    %dma_start3A_13 = tpu.memref_slice %arg2[%dma_start3A_11, %dma_start3A_12] : memref<8192x2048xf32, #tpu.memory_space<hbm>> -> memref<8192x2048xf32, #tpu.memory_space<hbm>>
    tpu.enqueue_indirect_dma source(%dma_start3A_13 : memref<8192x2048xf32, #tpu.memory_space<hbm>>) target(%arg6 : memref<32x2048xf32, #tpu.memory_space<vmem>>) offsets(%arg5 : memref<32xi32, #tpu.memory_space<vmem>>) semaphore(%arg7 : memref<!tpu.dma_semaphore, #tpu.memory_space<semaphore_mem>>)
    %dma_wait3A_14 = arith.constant 0 : i32
    %dma_wait3A_15 = arith.constant 0 : i32
    %dma_wait3A_16 = tpu.memref_slice %arg2[%dma_wait3A_14, %dma_wait3A_15] : memref<8192x2048xf32, #tpu.memory_space<hbm>> -> memref<8192x2048xf32, #tpu.memory_space<hbm>>
    tpu.wait_indirect_dma semaphore(%arg7 : memref<!tpu.dma_semaphore, #tpu.memory_space<semaphore_mem>>) src(%dma_wait3A_16 : memref<8192x2048xf32, #tpu.memory_space<hbm>>) dst(%arg6 : memref<32x2048xf32, #tpu.memory_space<vmem>>)
    "tpu.region"() ({
      %run_scoped3A = tpu.sem_alloc : memref<!tpu.dma_semaphore, #tpu.memory_space<semaphore_mem>>
      %dma_start3A_65 = arith.constant 0 : i32
      %dma_start3A_66 = tpu.memref_slice %arg4[%add3A_10, %dma_start3A_65] : memref<8192x2048xf32, #tpu.memory_space<hbm>> -> memref<32x2048xf32, #tpu.memory_space<hbm>>
      %dma_start3A_67 = arith.constant 0 : i32
      %dma_start3A_68 = tpu.memref_slice %arg4[%add3A_10, %dma_start3A_67] : memref<8192x2048xf32, #tpu.memory_space<hbm>> -> memref<32x2048xf32, #tpu.memory_space<hbm>>
      tpu.enqueue_dma source(%arg6 : memref<32x2048xf32, #tpu.memory_space<vmem>>) target(%dma_start3A_68 : memref<32x2048xf32, #tpu.memory_space<hbm>>) target_semaphore(%run_scoped3A : memref<!tpu.dma_semaphore, #tpu.memory_space<semaphore_mem>>)
      %dma_wait3A_69 = arith.constant 0 : i32
      %dma_wait3A_70 = tpu.memref_slice %arg4[%add3A_10, %dma_wait3A_69] : memref<8192x2048xf32, #tpu.memory_space<hbm>> -> memref<32x2048xf32, #tpu.memory_space<hbm>>
      %dma_wait3A_71 = arith.constant 0 : i32
      %dma_wait3A_72 = tpu.memref_slice %arg4[%add3A_10, %dma_wait3A_71] : memref<8192x2048xf32, #tpu.memory_space<hbm>> -> memref<32x2048xf32, #tpu.memory_space<hbm>>
      tpu.wait_dma2 semaphore(%run_scoped3A : memref<!tpu.dma_semaphore, #tpu.memory_space<semaphore_mem>>) src(%arg6 : memref<32x2048xf32, #tpu.memory_space<vmem>>) dst(%dma_wait3A_72 : memref<32x2048xf32, #tpu.memory_space<hbm>>)
      tpu.yield
    }) : () -> ()
    %add3A_17 = arith.constant 64 : i32
    %add3A_18 = arith.addi %mul3A_2, %add3A_17 : i32
    "tpu.region"() ({
      %run_scoped3A = tpu.sem_alloc : memref<!tpu.dma_semaphore, #tpu.memory_space<semaphore_mem>>
      %dma_start3A_65 = tpu.memref_slice %arg3[%add3A_18] : memref<8192xi32, #tpu.memory_space<hbm>> -> memref<32xi32, #tpu.memory_space<hbm>>
      %dma_start3A_66 = tpu.memref_slice %arg3[%add3A_18] : memref<8192xi32, #tpu.memory_space<hbm>> -> memref<32xi32, #tpu.memory_space<hbm>>
      tpu.enqueue_dma source(%dma_start3A_66 : memref<32xi32, #tpu.memory_space<hbm>>) target(%arg5 : memref<32xi32, #tpu.memory_space<vmem>>) target_semaphore(%run_scoped3A : memref<!tpu.dma_semaphore, #tpu.memory_space<semaphore_mem>>)
      %dma_wait3A_67 = tpu.memref_slice %arg3[%add3A_18] : memref<8192xi32, #tpu.memory_space<hbm>> -> memref<32xi32, #tpu.memory_space<hbm>>
      %dma_wait3A_68 = tpu.memref_slice %arg3[%add3A_18] : memref<8192xi32, #tpu.memory_space<hbm>> -> memref<32xi32, #tpu.memory_space<hbm>>
      tpu.wait_dma2 semaphore(%run_scoped3A : memref<!tpu.dma_semaphore, #tpu.memory_space<semaphore_mem>>) src(%dma_wait3A_68 : memref<32xi32, #tpu.memory_space<hbm>>) dst(%arg5 : memref<32xi32, #tpu.memory_space<vmem>>)
      tpu.yield
    }) : () -> ()
    %dma_start3A_19 = arith.constant 0 : i32
    %dma_start3A_20 = arith.constant 0 : i32
    %dma_start3A_21 = tpu.memref_slice %arg2[%dma_start3A_19, %dma_start3A_20] : memref<8192x2048xf32, #tpu.memory_space<hbm>> -> memref<8192x2048xf32, #tpu.memory_space<hbm>>
    tpu.enqueue_indirect_dma source(%dma_start3A_21 : memref<8192x2048xf32, #tpu.memory_space<hbm>>) target(%arg6 : memref<32x2048xf32, #tpu.memory_space<vmem>>) offsets(%arg5 : memref<32xi32, #tpu.memory_space<vmem>>) semaphore(%arg7 : memref<!tpu.dma_semaphore, #tpu.memory_space<semaphore_mem>>)
    %dma_wait3A_22 = arith.constant 0 : i32
    %dma_wait3A_23 = arith.constant 0 : i32
    %dma_wait3A_24 = tpu.memref_slice %arg2[%dma_wait3A_22, %dma_wait3A_23] : memref<8192x2048xf32, #tpu.memory_space<hbm>> -> memref<8192x2048xf32, #tpu.memory_space<hbm>>
    tpu.wait_indirect_dma semaphore(%arg7 : memref<!tpu.dma_semaphore, #tpu.memory_space<semaphore_mem>>) src(%dma_wait3A_24 : memref<8192x2048xf32, #tpu.memory_space<hbm>>) dst(%arg6 : memref<32x2048xf32, #tpu.memory_space<vmem>>)
    "tpu.region"() ({
      %run_scoped3A = tpu.sem_alloc : memref<!tpu.dma_semaphore, #tpu.memory_space<semaphore_mem>>
      %dma_start3A_65 = arith.constant 0 : i32
      %dma_start3A_66 = tpu.memref_slice %arg4[%add3A_18, %dma_start3A_65] : memref<8192x2048xf32, #tpu.memory_space<hbm>> -> memref<32x2048xf32, #tpu.memory_space<hbm>>
      %dma_start3A_67 = arith.constant 0 : i32
      %dma_start3A_68 = tpu.memref_slice %arg4[%add3A_18, %dma_start3A_67] : memref<8192x2048xf32, #tpu.memory_space<hbm>> -> memref<32x2048xf32, #tpu.memory_space<hbm>>
      tpu.enqueue_dma source(%arg6 : memref<32x2048xf32, #tpu.memory_space<vmem>>) target(%dma_start3A_68 : memref<32x2048xf32, #tpu.memory_space<hbm>>) target_semaphore(%run_scoped3A : memref<!tpu.dma_semaphore, #tpu.memory_space<semaphore_mem>>)
      %dma_wait3A_69 = arith.constant 0 : i32
      %dma_wait3A_70 = tpu.memref_slice %arg4[%add3A_18, %dma_wait3A_69] : memref<8192x2048xf32, #tpu.memory_space<hbm>> -> memref<32x2048xf32, #tpu.memory_space<hbm>>
      %dma_wait3A_71 = arith.constant 0 : i32
      %dma_wait3A_72 = tpu.memref_slice %arg4[%add3A_18, %dma_wait3A_71] : memref<8192x2048xf32, #tpu.memory_space<hbm>> -> memref<32x2048xf32, #tpu.memory_space<hbm>>
      tpu.wait_dma2 semaphore(%run_scoped3A : memref<!tpu.dma_semaphore, #tpu.memory_space<semaphore_mem>>) src(%arg6 : memref<32x2048xf32, #tpu.memory_space<vmem>>) dst(%dma_wait3A_72 : memref<32x2048xf32, #tpu.memory_space<hbm>>)
      tpu.yield
    }) : () -> ()
    %add3A_25 = arith.constant 96 : i32
    %add3A_26 = arith.addi %mul3A_2, %add3A_25 : i32
    "tpu.region"() ({
      %run_scoped3A = tpu.sem_alloc : memref<!tpu.dma_semaphore, #tpu.memory_space<semaphore_mem>>
      %dma_start3A_65 = tpu.memref_slice %arg3[%add3A_26] : memref<8192xi32, #tpu.memory_space<hbm>> -> memref<32xi32, #tpu.memory_space<hbm>>
      %dma_start3A_66 = tpu.memref_slice %arg3[%add3A_26] : memref<8192xi32, #tpu.memory_space<hbm>> -> memref<32xi32, #tpu.memory_space<hbm>>
      tpu.enqueue_dma source(%dma_start3A_66 : memref<32xi32, #tpu.memory_space<hbm>>) target(%arg5 : memref<32xi32, #tpu.memory_space<vmem>>) target_semaphore(%run_scoped3A : memref<!tpu.dma_semaphore, #tpu.memory_space<semaphore_mem>>)
      %dma_wait3A_67 = tpu.memref_slice %arg3[%add3A_26] : memref<8192xi32, #tpu.memory_space<hbm>> -> memref<32xi32, #tpu.memory_space<hbm>>
      %dma_wait3A_68 = tpu.memref_slice %arg3[%add3A_26] : memref<8192xi32, #tpu.memory_space<hbm>> -> memref<32xi32, #tpu.memory_space<hbm>>
      tpu.wait_dma2 semaphore(%run_scoped3A : memref<!tpu.dma_semaphore, #tpu.memory_space<semaphore_mem>>) src(%dma_wait3A_68 : memref<32xi32, #tpu.memory_space<hbm>>) dst(%arg5 : memref<32xi32, #tpu.memory_space<vmem>>)
      tpu.yield
    }) : () -> ()
    %dma_start3A_27 = arith.constant 0 : i32
    %dma_start3A_28 = arith.constant 0 : i32
    %dma_start3A_29 = tpu.memref_slice %arg2[%dma_start3A_27, %dma_start3A_28] : memref<8192x2048xf32, #tpu.memory_space<hbm>> -> memref<8192x2048xf32, #tpu.memory_space<hbm>>
    tpu.enqueue_indirect_dma source(%dma_start3A_29 : memref<8192x2048xf32, #tpu.memory_space<hbm>>) target(%arg6 : memref<32x2048xf32, #tpu.memory_space<vmem>>) offsets(%arg5 : memref<32xi32, #tpu.memory_space<vmem>>) semaphore(%arg7 : memref<!tpu.dma_semaphore, #tpu.memory_space<semaphore_mem>>)
    %dma_wait3A_30 = arith.constant 0 : i32
    %dma_wait3A_31 = arith.constant 0 : i32
    %dma_wait3A_32 = tpu.memref_slice %arg2[%dma_wait3A_30, %dma_wait3A_31] : memref<8192x2048xf32, #tpu.memory_space<hbm>> -> memref<8192x2048xf32, #tpu.memory_space<hbm>>
    tpu.wait_indirect_dma semaphore(%arg7 : memref<!tpu.dma_semaphore, #tpu.memory_space<semaphore_mem>>) src(%dma_wait3A_32 : memref<8192x2048xf32, #tpu.memory_space<hbm>>) dst(%arg6 : memref<32x2048xf32, #tpu.memory_space<vmem>>)
    "tpu.region"() ({
      %run_scoped3A = tpu.sem_alloc : memref<!tpu.dma_semaphore, #tpu.memory_space<semaphore_mem>>
      %dma_start3A_65 = arith.constant 0 : i32
      %dma_start3A_66 = tpu.memref_slice %arg4[%add3A_26, %dma_start3A_65] : memref<8192x2048xf32, #tpu.memory_space<hbm>> -> memref<32x2048xf32, #tpu.memory_space<hbm>>
      %dma_start3A_67 = arith.constant 0 : i32
      %dma_start3A_68 = tpu.memref_slice %arg4[%add3A_26, %dma_start3A_67] : memref<8192x2048xf32, #tpu.memory_space<hbm>> -> memref<32x2048xf32, #tpu.memory_space<hbm>>
      tpu.enqueue_dma source(%arg6 : memref<32x2048xf32, #tpu.memory_space<vmem>>) target(%dma_start3A_68 : memref<32x2048xf32, #tpu.memory_space<hbm>>) target_semaphore(%run_scoped3A : memref<!tpu.dma_semaphore, #tpu.memory_space<semaphore_mem>>)
      %dma_wait3A_69 = arith.constant 0 : i32
      %dma_wait3A_70 = tpu.memref_slice %arg4[%add3A_26, %dma_wait3A_69] : memref<8192x2048xf32, #tpu.memory_space<hbm>> -> memref<32x2048xf32, #tpu.memory_space<hbm>>
      %dma_wait3A_71 = arith.constant 0 : i32
      %dma_wait3A_72 = tpu.memref_slice %arg4[%add3A_26, %dma_wait3A_71] : memref<8192x2048xf32, #tpu.memory_space<hbm>> -> memref<32x2048xf32, #tpu.memory_space<hbm>>
      tpu.wait_dma2 semaphore(%run_scoped3A : memref<!tpu.dma_semaphore, #tpu.memory_space<semaphore_mem>>) src(%arg6 : memref<32x2048xf32, #tpu.memory_space<vmem>>) dst(%dma_wait3A_72 : memref<32x2048xf32, #tpu.memory_space<hbm>>)
      tpu.yield
    }) : () -> ()
    %add3A_33 = arith.constant 128 : i32
    %add3A_34 = arith.addi %mul3A_2, %add3A_33 : i32
    "tpu.region"() ({
      %run_scoped3A = tpu.sem_alloc : memref<!tpu.dma_semaphore, #tpu.memory_space<semaphore_mem>>
      %dma_start3A_65 = tpu.memref_slice %arg3[%add3A_34] : memref<8192xi32, #tpu.memory_space<hbm>> -> memref<32xi32, #tpu.memory_space<hbm>>
      %dma_start3A_66 = tpu.memref_slice %arg3[%add3A_34] : memref<8192xi32, #tpu.memory_space<hbm>> -> memref<32xi32, #tpu.memory_space<hbm>>
      tpu.enqueue_dma source(%dma_start3A_66 : memref<32xi32, #tpu.memory_space<hbm>>) target(%arg5 : memref<32xi32, #tpu.memory_space<vmem>>) target_semaphore(%run_scoped3A : memref<!tpu.dma_semaphore, #tpu.memory_space<semaphore_mem>>)
      %dma_wait3A_67 = tpu.memref_slice %arg3[%add3A_34] : memref<8192xi32, #tpu.memory_space<hbm>> -> memref<32xi32, #tpu.memory_space<hbm>>
      %dma_wait3A_68 = tpu.memref_slice %arg3[%add3A_34] : memref<8192xi32, #tpu.memory_space<hbm>> -> memref<32xi32, #tpu.memory_space<hbm>>
      tpu.wait_dma2 semaphore(%run_scoped3A : memref<!tpu.dma_semaphore, #tpu.memory_space<semaphore_mem>>) src(%dma_wait3A_68 : memref<32xi32, #tpu.memory_space<hbm>>) dst(%arg5 : memref<32xi32, #tpu.memory_space<vmem>>)
      tpu.yield
    }) : () -> ()
    %dma_start3A_35 = arith.constant 0 : i32
    %dma_start3A_36 = arith.constant 0 : i32
    %dma_start3A_37 = tpu.memref_slice %arg2[%dma_start3A_35, %dma_start3A_36] : memref<8192x2048xf32, #tpu.memory_space<hbm>> -> memref<8192x2048xf32, #tpu.memory_space<hbm>>
    tpu.enqueue_indirect_dma source(%dma_start3A_37 : memref<8192x2048xf32, #tpu.memory_space<hbm>>) target(%arg6 : memref<32x2048xf32, #tpu.memory_space<vmem>>) offsets(%arg5 : memref<32xi32, #tpu.memory_space<vmem>>) semaphore(%arg7 : memref<!tpu.dma_semaphore, #tpu.memory_space<semaphore_mem>>)
    %dma_wait3A_38 = arith.constant 0 : i32
    %dma_wait3A_39 = arith.constant 0 : i32
    %dma_wait3A_40 = tpu.memref_slice %arg2[%dma_wait3A_38, %dma_wait3A_39] : memref<8192x2048xf32, #tpu.memory_space<hbm>> -> memref<8192x2048xf32, #tpu.memory_space<hbm>>
    tpu.wait_indirect_dma semaphore(%arg7 : memref<!tpu.dma_semaphore, #tpu.memory_space<semaphore_mem>>) src(%dma_wait3A_40 : memref<8192x2048xf32, #tpu.memory_space<hbm>>) dst(%arg6 : memref<32x2048xf32, #tpu.memory_space<vmem>>)
    "tpu.region"() ({
      %run_scoped3A = tpu.sem_alloc : memref<!tpu.dma_semaphore, #tpu.memory_space<semaphore_mem>>
      %dma_start3A_65 = arith.constant 0 : i32
      %dma_start3A_66 = tpu.memref_slice %arg4[%add3A_34, %dma_start3A_65] : memref<8192x2048xf32, #tpu.memory_space<hbm>> -> memref<32x2048xf32, #tpu.memory_space<hbm>>
      %dma_start3A_67 = arith.constant 0 : i32
      %dma_start3A_68 = tpu.memref_slice %arg4[%add3A_34, %dma_start3A_67] : memref<8192x2048xf32, #tpu.memory_space<hbm>> -> memref<32x2048xf32, #tpu.memory_space<hbm>>
      tpu.enqueue_dma source(%arg6 : memref<32x2048xf32, #tpu.memory_space<vmem>>) target(%dma_start3A_68 : memref<32x2048xf32, #tpu.memory_space<hbm>>) target_semaphore(%run_scoped3A : memref<!tpu.dma_semaphore, #tpu.memory_space<semaphore_mem>>)
      %dma_wait3A_69 = arith.constant 0 : i32
      %dma_wait3A_70 = tpu.memref_slice %arg4[%add3A_34, %dma_wait3A_69] : memref<8192x2048xf32, #tpu.memory_space<hbm>> -> memref<32x2048xf32, #tpu.memory_space<hbm>>
      %dma_wait3A_71 = arith.constant 0 : i32
      %dma_wait3A_72 = tpu.memref_slice %arg4[%add3A_34, %dma_wait3A_71] : memref<8192x2048xf32, #tpu.memory_space<hbm>> -> memref<32x2048xf32, #tpu.memory_space<hbm>>
      tpu.wait_dma2 semaphore(%run_scoped3A : memref<!tpu.dma_semaphore, #tpu.memory_space<semaphore_mem>>) src(%arg6 : memref<32x2048xf32, #tpu.memory_space<vmem>>) dst(%dma_wait3A_72 : memref<32x2048xf32, #tpu.memory_space<hbm>>)
      tpu.yield
    }) : () -> ()
    %add3A_41 = arith.constant 160 : i32
    %add3A_42 = arith.addi %mul3A_2, %add3A_41 : i32
    "tpu.region"() ({
      %run_scoped3A = tpu.sem_alloc : memref<!tpu.dma_semaphore, #tpu.memory_space<semaphore_mem>>
      %dma_start3A_65 = tpu.memref_slice %arg3[%add3A_42] : memref<8192xi32, #tpu.memory_space<hbm>> -> memref<32xi32, #tpu.memory_space<hbm>>
      %dma_start3A_66 = tpu.memref_slice %arg3[%add3A_42] : memref<8192xi32, #tpu.memory_space<hbm>> -> memref<32xi32, #tpu.memory_space<hbm>>
      tpu.enqueue_dma source(%dma_start3A_66 : memref<32xi32, #tpu.memory_space<hbm>>) target(%arg5 : memref<32xi32, #tpu.memory_space<vmem>>) target_semaphore(%run_scoped3A : memref<!tpu.dma_semaphore, #tpu.memory_space<semaphore_mem>>)
      %dma_wait3A_67 = tpu.memref_slice %arg3[%add3A_42] : memref<8192xi32, #tpu.memory_space<hbm>> -> memref<32xi32, #tpu.memory_space<hbm>>
      %dma_wait3A_68 = tpu.memref_slice %arg3[%add3A_42] : memref<8192xi32, #tpu.memory_space<hbm>> -> memref<32xi32, #tpu.memory_space<hbm>>
      tpu.wait_dma2 semaphore(%run_scoped3A : memref<!tpu.dma_semaphore, #tpu.memory_space<semaphore_mem>>) src(%dma_wait3A_68 : memref<32xi32, #tpu.memory_space<hbm>>) dst(%arg5 : memref<32xi32, #tpu.memory_space<vmem>>)
      tpu.yield
    }) : () -> ()
    %dma_start3A_43 = arith.constant 0 : i32
    %dma_start3A_44 = arith.constant 0 : i32
    %dma_start3A_45 = tpu.memref_slice %arg2[%dma_start3A_43, %dma_start3A_44] : memref<8192x2048xf32, #tpu.memory_space<hbm>> -> memref<8192x2048xf32, #tpu.memory_space<hbm>>
    tpu.enqueue_indirect_dma source(%dma_start3A_45 : memref<8192x2048xf32, #tpu.memory_space<hbm>>) target(%arg6 : memref<32x2048xf32, #tpu.memory_space<vmem>>) offsets(%arg5 : memref<32xi32, #tpu.memory_space<vmem>>) semaphore(%arg7 : memref<!tpu.dma_semaphore, #tpu.memory_space<semaphore_mem>>)
    %dma_wait3A_46 = arith.constant 0 : i32
    %dma_wait3A_47 = arith.constant 0 : i32
    %dma_wait3A_48 = tpu.memref_slice %arg2[%dma_wait3A_46, %dma_wait3A_47] : memref<8192x2048xf32, #tpu.memory_space<hbm>> -> memref<8192x2048xf32, #tpu.memory_space<hbm>>
    tpu.wait_indirect_dma semaphore(%arg7 : memref<!tpu.dma_semaphore, #tpu.memory_space<semaphore_mem>>) src(%dma_wait3A_48 : memref<8192x2048xf32, #tpu.memory_space<hbm>>) dst(%arg6 : memref<32x2048xf32, #tpu.memory_space<vmem>>)
    "tpu.region"() ({
      %run_scoped3A = tpu.sem_alloc : memref<!tpu.dma_semaphore, #tpu.memory_space<semaphore_mem>>
      %dma_start3A_65 = arith.constant 0 : i32
      %dma_start3A_66 = tpu.memref_slice %arg4[%add3A_42, %dma_start3A_65] : memref<8192x2048xf32, #tpu.memory_space<hbm>> -> memref<32x2048xf32, #tpu.memory_space<hbm>>
      %dma_start3A_67 = arith.constant 0 : i32
      %dma_start3A_68 = tpu.memref_slice %arg4[%add3A_42, %dma_start3A_67] : memref<8192x2048xf32, #tpu.memory_space<hbm>> -> memref<32x2048xf32, #tpu.memory_space<hbm>>
      tpu.enqueue_dma source(%arg6 : memref<32x2048xf32, #tpu.memory_space<vmem>>) target(%dma_start3A_68 : memref<32x2048xf32, #tpu.memory_space<hbm>>) target_semaphore(%run_scoped3A : memref<!tpu.dma_semaphore, #tpu.memory_space<semaphore_mem>>)
      %dma_wait3A_69 = arith.constant 0 : i32
      %dma_wait3A_70 = tpu.memref_slice %arg4[%add3A_42, %dma_wait3A_69] : memref<8192x2048xf32, #tpu.memory_space<hbm>> -> memref<32x2048xf32, #tpu.memory_space<hbm>>
      %dma_wait3A_71 = arith.constant 0 : i32
      %dma_wait3A_72 = tpu.memref_slice %arg4[%add3A_42, %dma_wait3A_71] : memref<8192x2048xf32, #tpu.memory_space<hbm>> -> memref<32x2048xf32, #tpu.memory_space<hbm>>
      tpu.wait_dma2 semaphore(%run_scoped3A : memref<!tpu.dma_semaphore, #tpu.memory_space<semaphore_mem>>) src(%arg6 : memref<32x2048xf32, #tpu.memory_space<vmem>>) dst(%dma_wait3A_72 : memref<32x2048xf32, #tpu.memory_space<hbm>>)
      tpu.yield
    }) : () -> ()
    %add3A_49 = arith.constant 192 : i32
    %add3A_50 = arith.addi %mul3A_2, %add3A_49 : i32
    "tpu.region"() ({
      %run_scoped3A = tpu.sem_alloc : memref<!tpu.dma_semaphore, #tpu.memory_space<semaphore_mem>>
      %dma_start3A_65 = tpu.memref_slice %arg3[%add3A_50] : memref<8192xi32, #tpu.memory_space<hbm>> -> memref<32xi32, #tpu.memory_space<hbm>>
      %dma_start3A_66 = tpu.memref_slice %arg3[%add3A_50] : memref<8192xi32, #tpu.memory_space<hbm>> -> memref<32xi32, #tpu.memory_space<hbm>>
      tpu.enqueue_dma source(%dma_start3A_66 : memref<32xi32, #tpu.memory_space<hbm>>) target(%arg5 : memref<32xi32, #tpu.memory_space<vmem>>) target_semaphore(%run_scoped3A : memref<!tpu.dma_semaphore, #tpu.memory_space<semaphore_mem>>)
      %dma_wait3A_67 = tpu.memref_slice %arg3[%add3A_50] : memref<8192xi32, #tpu.memory_space<hbm>> -> memref<32xi32, #tpu.memory_space<hbm>>
      %dma_wait3A_68 = tpu.memref_slice %arg3[%add3A_50] : memref<8192xi32, #tpu.memory_space<hbm>> -> memref<32xi32, #tpu.memory_space<hbm>>
      tpu.wait_dma2 semaphore(%run_scoped3A : memref<!tpu.dma_semaphore, #tpu.memory_space<semaphore_mem>>) src(%dma_wait3A_68 : memref<32xi32, #tpu.memory_space<hbm>>) dst(%arg5 : memref<32xi32, #tpu.memory_space<vmem>>)
      tpu.yield
    }) : () -> ()
    %dma_start3A_51 = arith.constant 0 : i32
    %dma_start3A_52 = arith.constant 0 : i32
    %dma_start3A_53 = tpu.memref_slice %arg2[%dma_start3A_51, %dma_start3A_52] : memref<8192x2048xf32, #tpu.memory_space<hbm>> -> memref<8192x2048xf32, #tpu.memory_space<hbm>>
    tpu.enqueue_indirect_dma source(%dma_start3A_53 : memref<8192x2048xf32, #tpu.memory_space<hbm>>) target(%arg6 : memref<32x2048xf32, #tpu.memory_space<vmem>>) offsets(%arg5 : memref<32xi32, #tpu.memory_space<vmem>>) semaphore(%arg7 : memref<!tpu.dma_semaphore, #tpu.memory_space<semaphore_mem>>)
    %dma_wait3A_54 = arith.constant 0 : i32
    %dma_wait3A_55 = arith.constant 0 : i32
    %dma_wait3A_56 = tpu.memref_slice %arg2[%dma_wait3A_54, %dma_wait3A_55] : memref<8192x2048xf32, #tpu.memory_space<hbm>> -> memref<8192x2048xf32, #tpu.memory_space<hbm>>
    tpu.wait_indirect_dma semaphore(%arg7 : memref<!tpu.dma_semaphore, #tpu.memory_space<semaphore_mem>>) src(%dma_wait3A_56 : memref<8192x2048xf32, #tpu.memory_space<hbm>>) dst(%arg6 : memref<32x2048xf32, #tpu.memory_space<vmem>>)
    "tpu.region"() ({
      %run_scoped3A = tpu.sem_alloc : memref<!tpu.dma_semaphore, #tpu.memory_space<semaphore_mem>>
      %dma_start3A_65 = arith.constant 0 : i32
      %dma_start3A_66 = tpu.memref_slice %arg4[%add3A_50, %dma_start3A_65] : memref<8192x2048xf32, #tpu.memory_space<hbm>> -> memref<32x2048xf32, #tpu.memory_space<hbm>>
      %dma_start3A_67 = arith.constant 0 : i32
      %dma_start3A_68 = tpu.memref_slice %arg4[%add3A_50, %dma_start3A_67] : memref<8192x2048xf32, #tpu.memory_space<hbm>> -> memref<32x2048xf32, #tpu.memory_space<hbm>>
      tpu.enqueue_dma source(%arg6 : memref<32x2048xf32, #tpu.memory_space<vmem>>) target(%dma_start3A_68 : memref<32x2048xf32, #tpu.memory_space<hbm>>) target_semaphore(%run_scoped3A : memref<!tpu.dma_semaphore, #tpu.memory_space<semaphore_mem>>)
      %dma_wait3A_69 = arith.constant 0 : i32
      %dma_wait3A_70 = tpu.memref_slice %arg4[%add3A_50, %dma_wait3A_69] : memref<8192x2048xf32, #tpu.memory_space<hbm>> -> memref<32x2048xf32, #tpu.memory_space<hbm>>
      %dma_wait3A_71 = arith.constant 0 : i32
      %dma_wait3A_72 = tpu.memref_slice %arg4[%add3A_50, %dma_wait3A_71] : memref<8192x2048xf32, #tpu.memory_space<hbm>> -> memref<32x2048xf32, #tpu.memory_space<hbm>>
      tpu.wait_dma2 semaphore(%run_scoped3A : memref<!tpu.dma_semaphore, #tpu.memory_space<semaphore_mem>>) src(%arg6 : memref<32x2048xf32, #tpu.memory_space<vmem>>) dst(%dma_wait3A_72 : memref<32x2048xf32, #tpu.memory_space<hbm>>)
      tpu.yield
    }) : () -> ()
    %add3A_57 = arith.constant 224 : i32
    %add3A_58 = arith.addi %mul3A_2, %add3A_57 : i32
    "tpu.region"() ({
      %run_scoped3A = tpu.sem_alloc : memref<!tpu.dma_semaphore, #tpu.memory_space<semaphore_mem>>
      %dma_start3A_65 = tpu.memref_slice %arg3[%add3A_58] : memref<8192xi32, #tpu.memory_space<hbm>> -> memref<32xi32, #tpu.memory_space<hbm>>
      %dma_start3A_66 = tpu.memref_slice %arg3[%add3A_58] : memref<8192xi32, #tpu.memory_space<hbm>> -> memref<32xi32, #tpu.memory_space<hbm>>
      tpu.enqueue_dma source(%dma_start3A_66 : memref<32xi32, #tpu.memory_space<hbm>>) target(%arg5 : memref<32xi32, #tpu.memory_space<vmem>>) target_semaphore(%run_scoped3A : memref<!tpu.dma_semaphore, #tpu.memory_space<semaphore_mem>>)
      %dma_wait3A_67 = tpu.memref_slice %arg3[%add3A_58] : memref<8192xi32, #tpu.memory_space<hbm>> -> memref<32xi32, #tpu.memory_space<hbm>>
      %dma_wait3A_68 = tpu.memref_slice %arg3[%add3A_58] : memref<8192xi32, #tpu.memory_space<hbm>> -> memref<32xi32, #tpu.memory_space<hbm>>
      tpu.wait_dma2 semaphore(%run_scoped3A : memref<!tpu.dma_semaphore, #tpu.memory_space<semaphore_mem>>) src(%dma_wait3A_68 : memref<32xi32, #tpu.memory_space<hbm>>) dst(%arg5 : memref<32xi32, #tpu.memory_space<vmem>>)
      tpu.yield
    }) : () -> ()
    %dma_start3A_59 = arith.constant 0 : i32
    %dma_start3A_60 = arith.constant 0 : i32
    %dma_start3A_61 = tpu.memref_slice %arg2[%dma_start3A_59, %dma_start3A_60] : memref<8192x2048xf32, #tpu.memory_space<hbm>> -> memref<8192x2048xf32, #tpu.memory_space<hbm>>
    tpu.enqueue_indirect_dma source(%dma_start3A_61 : memref<8192x2048xf32, #tpu.memory_space<hbm>>) target(%arg6 : memref<32x2048xf32, #tpu.memory_space<vmem>>) offsets(%arg5 : memref<32xi32, #tpu.memory_space<vmem>>) semaphore(%arg7 : memref<!tpu.dma_semaphore, #tpu.memory_space<semaphore_mem>>)
    %dma_wait3A_62 = arith.constant 0 : i32
    %dma_wait3A_63 = arith.constant 0 : i32
    %dma_wait3A_64 = tpu.memref_slice %arg2[%dma_wait3A_62, %dma_wait3A_63] : memref<8192x2048xf32, #tpu.memory_space<hbm>> -> memref<8192x2048xf32, #tpu.memory_space<hbm>>
    tpu.wait_indirect_dma semaphore(%arg7 : memref<!tpu.dma_semaphore, #tpu.memory_space<semaphore_mem>>) src(%dma_wait3A_64 : memref<8192x2048xf32, #tpu.memory_space<hbm>>) dst(%arg6 : memref<32x2048xf32, #tpu.memory_space<vmem>>)
    "tpu.region"() ({
      %run_scoped3A = tpu.sem_alloc : memref<!tpu.dma_semaphore, #tpu.memory_space<semaphore_mem>>
      %dma_start3A_65 = arith.constant 0 : i32
      %dma_start3A_66 = tpu.memref_slice %arg4[%add3A_58, %dma_start3A_65] : memref<8192x2048xf32, #tpu.memory_space<hbm>> -> memref<32x2048xf32, #tpu.memory_space<hbm>>
      %dma_start3A_67 = arith.constant 0 : i32
      %dma_start3A_68 = tpu.memref_slice %arg4[%add3A_58, %dma_start3A_67] : memref<8192x2048xf32, #tpu.memory_space<hbm>> -> memref<32x2048xf32, #tpu.memory_space<hbm>>
      tpu.enqueue_dma source(%arg6 : memref<32x2048xf32, #tpu.memory_space<vmem>>) target(%dma_start3A_68 : memref<32x2048xf32, #tpu.memory_space<hbm>>) target_semaphore(%run_scoped3A : memref<!tpu.dma_semaphore, #tpu.memory_space<semaphore_mem>>)
      %dma_wait3A_69 = arith.constant 0 : i32
      %dma_wait3A_70 = tpu.memref_slice %arg4[%add3A_58, %dma_wait3A_69] : memref<8192x2048xf32, #tpu.memory_space<hbm>> -> memref<32x2048xf32, #tpu.memory_space<hbm>>
      %dma_wait3A_71 = arith.constant 0 : i32
      %dma_wait3A_72 = tpu.memref_slice %arg4[%add3A_58, %dma_wait3A_71] : memref<8192x2048xf32, #tpu.memory_space<hbm>> -> memref<32x2048xf32, #tpu.memory_space<hbm>>
      tpu.wait_dma2 semaphore(%run_scoped3A : memref<!tpu.dma_semaphore, #tpu.memory_space<semaphore_mem>>) src(%arg6 : memref<32x2048xf32, #tpu.memory_space<vmem>>) dst(%dma_wait3A_72 : memref<32x2048xf32, #tpu.memory_space<hbm>>)
      tpu.yield
    }) : () -> ()
    return
  }
}

module attributes {stable_mosaic.version = 14 : i64} {
  func.func @_argmax_kernel(%arg0: i32, %arg1: i32, %arg2: memref<1x512x64xbf16, #tpu.memory_space<vmem>>, %arg3: memref<1x2048x64xbf16, #tpu.memory_space<vmem>>, %arg4: memref<1x512x2048xf32, #tpu.memory_space<vmem>>, %arg5: memref<1x1x1x512xi32, #tpu.memory_space<vmem>>, %arg6: memref<1x512x2048xf32, #tpu.memory_space<vmem>>) attributes {dimension_semantics = [#tpu.dimension_semantics<arbitrary>, #tpu.dimension_semantics<arbitrary>], iteration_bounds = array<i64: 4, 4>, scalar_prefetch = 0 : i64, scratch_operands = 0 : i64, tpu.core_type = #tpu.core_type<tc>, window_params = [{transform_indices = @transform_0, window_bounds = array<i64: 1, 512, 64>}, {transform_indices = @transform_1, window_bounds = array<i64: 1, 2048, 64>}, {transform_indices = @transform_2, window_bounds = array<i64: 1, 512, 2048>}, {transform_indices = @transform_3, window_bounds = array<i64: 1, 1, 1, 512>}, {transform_indices = @transform_4, window_bounds = array<i64: 1, 512, 2048>}]} {
    %get3A = arith.constant 0 : index
    %get3A_0 = arith.constant 0 : index
    %get3A_1 = arith.constant 0 : index
    %get3A_2 = vector.load %arg2[%get3A, %get3A_0, %get3A_1] : memref<1x512x64xbf16, #tpu.memory_space<vmem>>, vector<1x512x64xbf16>
    %get3A_3 = vector.shape_cast %get3A_2 : vector<1x512x64xbf16> to vector<512x64xbf16>
    %get3A_4 = arith.constant 0 : index
    %get3A_5 = arith.constant 0 : index
    %get3A_6 = arith.constant 0 : index
    %get3A_7 = vector.load %arg3[%get3A_4, %get3A_5, %get3A_6] : memref<1x2048x64xbf16, #tpu.memory_space<vmem>>, vector<1x2048x64xbf16>
    %get3A_8 = vector.shape_cast %get3A_7 : vector<1x2048x64xbf16> to vector<2048x64xbf16>
    %dot_general3A = arith.constant dense<0.000000e+00> : vector<512x2048xf32>
    %dot_general3A_9 = tpu.matmul %get3A_3, %get3A_8, %dot_general3A {dimension_numbers = #tpu.dot_dimension_numbers<[1], [1], [0], [0], [0, 0, 1, 0], [], []>, transpose_lhs_hint = false} : vector<512x64xbf16>, vector<2048x64xbf16>, vector<512x2048xf32> -> vector<512x2048xf32>
    %reduce_max3A = arith.constant dense<0xFF800000> : vector<512xf32>
    %reduce_max3A_10 = vector.multi_reduction <maximumf>, %dot_general3A_9, %reduce_max3A [1] : vector<512x2048xf32> to vector<512xf32>
    %broadcast_in_dim3A = vector.shape_cast %reduce_max3A_10 : vector<512xf32> to vector<512x1xf32>
    %iota3A = tpu.iota {dimensions = array<i32: 1>} : vector<512x2048xi32>
    %ge3A = vector.broadcast %broadcast_in_dim3A : vector<512x1xf32> to vector<512x2048xf32>
    %ge3A_11 = arith.cmpf oge, %dot_general3A_9, %ge3A : vector<512x2048xf32>
    %jit3A = arith.constant 2048 : i32
    %broadcast_in_dim3A_12 = vector.broadcast %jit3A : i32 to vector<512x2048xi32>
    %select_n3A = arith.select %ge3A_11, %iota3A, %broadcast_in_dim3A_12 : vector<512x2048xi1>, vector<512x2048xi32>
    %reduce_min3A = arith.constant dense<2147483647> : vector<512xi32>
    %reduce_min3A_13 = vector.multi_reduction <minsi>, %select_n3A, %reduce_min3A [1] : vector<512x2048xi32> to vector<512xi32>
    %mul3A = arith.constant 2048 : i32
    %mul3A_14 = arith.muli %arg0, %mul3A : i32
    %add3A = vector.broadcast %mul3A_14 : i32 to vector<512xi32>
    %add3A_15 = arith.addi %reduce_min3A_13, %add3A : vector<512xi32>
    %swap3A = arith.constant 0 : index
    %swap3A_16 = arith.constant 0 : index
    %swap3A_17 = arith.constant 0 : index
    %swap3A_18 = arith.constant 0 : index
    %swap3A_19 = vector.load %arg5[%swap3A, %swap3A_16, %swap3A_17, %swap3A_18] : memref<1x1x1x512xi32, #tpu.memory_space<vmem>>, vector<1x1x1x512xi32>
    %swap3A_20 = vector.shape_cast %swap3A_19 : vector<1x1x1x512xi32> to vector<512xi32>
    %swap3A_21 = vector.shape_cast %add3A_15 : vector<512xi32> to vector<1x1x1x512xi32>
    tpu.vector_store %arg5[%swap3A, %swap3A_16, %swap3A_17, %swap3A_18], %swap3A_21 {strides = array<i32>} : memref<1x1x1x512xi32, #tpu.memory_space<vmem>>, vector<1x1x1x512xi32>,
    %get3A_22 = arith.constant 0 : index
    %get3A_23 = arith.constant 0 : index
    %get3A_24 = arith.constant 0 : index
    %get3A_25 = vector.load %arg4[%get3A_22, %get3A_23, %get3A_24] : memref<1x512x2048xf32, #tpu.memory_space<vmem>>, vector<1x512x2048xf32>
    %swap3A_26 = arith.constant 0 : index
    %swap3A_27 = arith.constant 0 : index
    %swap3A_28 = arith.constant 0 : index
    %swap3A_29 = vector.load %arg6[%swap3A_26, %swap3A_27, %swap3A_28] : memref<1x512x2048xf32, #tpu.memory_space<vmem>>, vector<1x512x2048xf32>
    tpu.vector_store %arg6[%swap3A_26, %swap3A_27, %swap3A_28], %get3A_25 {strides = array<i32>} : memref<1x512x2048xf32, #tpu.memory_space<vmem>>, vector<1x512x2048xf32>,
    return
  }
  func.func @transform_0(%arg0: i32, %arg1: i32) -> (i32, i32, i32) {
    %c0_i32 = arith.constant 0 : i32
    %c0_i32_0 = arith.constant 0 : i32
    return %arg0, %arg1, %c0_i32 : i32, i32, i32
  }
  func.func @transform_1(%arg0: i32, %arg1: i32) -> (i32, i32, i32) {
    %c0_i32 = arith.constant 0 : i32
    %c0_i32_0 = arith.constant 0 : i32
    %c0_i32_1 = arith.constant 0 : i32
    return %arg0, %c0_i32, %c0_i32_0 : i32, i32, i32
  }
  func.func @transform_2(%arg0: i32, %arg1: i32) -> (i32, i32, i32) {
    %c0_i32 = arith.constant 0 : i32
    %c0_i32_0 = arith.constant 0 : i32
    return %arg0, %arg1, %c0_i32 : i32, i32, i32
  }
  func.func @transform_3(%arg0: i32, %arg1: i32) -> (i32, i32, i32, i32) {
    %c0_i32 = arith.constant 0 : i32
    %c0_i32_0 = arith.constant 0 : i32
    %c0_i32_1 = arith.constant 0 : i32
    return %arg0, %arg1, %c0_i32, %c0_i32_0 : i32, i32, i32, i32
  }
  func.func @transform_4(%arg0: i32, %arg1: i32) -> (i32, i32, i32) {
    %c0_i32 = arith.constant 0 : i32
    %c0_i32_0 = arith.constant 0 : i32
    return %arg0, %arg1, %c0_i32 : i32, i32, i32
  }
}

module attributes {stable_mosaic.version = 14 : i64} {
  func.func @_proj_kernel(%arg0: i32, %arg1: memref<256x2048xf32, #tpu.memory_space<vmem>>, %arg2: memref<2048x128xbf16, #tpu.memory_space<vmem>>, %arg3: memref<1x128xf32, #tpu.memory_space<vmem>>, %arg4: memref<128x64xbf16, #tpu.memory_space<vmem>>, %arg5: memref<1x64xf32, #tpu.memory_space<vmem>>, %arg6: memref<256x64xbf16, #tpu.memory_space<vmem>>, %arg7: memref<256x2048xf32, #tpu.memory_space<vmem>>) attributes {dimension_semantics = [#tpu.dimension_semantics<arbitrary>], iteration_bounds = array<i64: 32>, scalar_prefetch = 0 : i64, scratch_operands = 0 : i64, tpu.core_type = #tpu.core_type<tc>, window_params = [{transform_indices = @transform_0, window_bounds = array<i64: 256, 2048>}, {pipeline_mode = #tpu.pipeline_mode<synchronous>, transform_indices = @transform_1, window_bounds = array<i64: 2048, 128>}, {pipeline_mode = #tpu.pipeline_mode<synchronous>, transform_indices = @transform_2, window_bounds = array<i64: 1, 128>}, {pipeline_mode = #tpu.pipeline_mode<synchronous>, transform_indices = @transform_3, window_bounds = array<i64: 128, 64>}, {pipeline_mode = #tpu.pipeline_mode<synchronous>, transform_indices = @transform_4, window_bounds = array<i64: 1, 64>}, {transform_indices = @transform_5, window_bounds = array<i64: 256, 64>}, {transform_indices = @transform_6, window_bounds = array<i64: 256, 2048>}]} {
    %get3A = arith.constant 0 : index
    %get3A_0 = arith.constant 0 : index
    %get3A_1 = vector.load %arg1[%get3A, %get3A_0] : memref<256x2048xf32, #tpu.memory_space<vmem>>, vector<256x2048xf32>
    %convert_element_type3A = arith.truncf %get3A_1 : vector<256x2048xf32> to vector<256x2048xbf16>
    %get3A_2 = arith.constant 0 : index
    %get3A_3 = arith.constant 0 : index
    %get3A_4 = vector.load %arg2[%get3A_2, %get3A_3] : memref<2048x128xbf16, #tpu.memory_space<vmem>>, vector<2048x128xbf16>
    %dot_general3A = arith.constant dense<0.000000e+00> : vector<256x128xf32>
    %dot_general3A_5 = tpu.matmul %convert_element_type3A, %get3A_4, %dot_general3A {dimension_numbers = #tpu.dot_dimension_numbers<[1], [0], [0], [1], [0, 0, 1, 1], [], []>, transpose_lhs_hint = false} : vector<256x2048xbf16>, vector<2048x128xbf16>, vector<256x128xf32> -> vector<256x128xf32>
    %get3A_6 = arith.constant 0 : index
    %get3A_7 = arith.constant 0 : index
    %get3A_8 = vector.load %arg3[%get3A_6, %get3A_7] : memref<1x128xf32, #tpu.memory_space<vmem>>, vector<1x128xf32>
    %add3A = vector.broadcast %get3A_8 : vector<1x128xf32> to vector<256x128xf32>
    %add3A_9 = arith.addf %dot_general3A_5, %add3A : vector<256x128xf32>
    %mul3A = arith.constant 5.000000e-01 : f32
    %mul3A_10 = vector.broadcast %mul3A : f32 to vector<256x128xf32>
    %mul3A_11 = arith.mulf %mul3A_10, %add3A_9 : vector<256x128xf32>
    %mul3A_12 = arith.constant 0.707106769 : f32
    %mul3A_13 = vector.broadcast %mul3A_12 : f32 to vector<256x128xf32>
    %mul3A_14 = arith.mulf %add3A_9, %mul3A_13 : vector<256x128xf32>
    %erf3A = math.erf %mul3A_14 : vector<256x128xf32>
    %add3A_15 = arith.constant 1.000000e+00 : f32
    %add3A_16 = vector.broadcast %add3A_15 : f32 to vector<256x128xf32>
    %add3A_17 = arith.addf %add3A_16, %erf3A : vector<256x128xf32>
    %mul3A_18 = arith.mulf %mul3A_11, %add3A_17 : vector<256x128xf32>
    %convert_element_type3A_19 = arith.truncf %mul3A_18 : vector<256x128xf32> to vector<256x128xbf16>
    %get3A_20 = arith.constant 0 : index
    %get3A_21 = arith.constant 0 : index
    %get3A_22 = vector.load %arg4[%get3A_20, %get3A_21] : memref<128x64xbf16, #tpu.memory_space<vmem>>, vector<128x64xbf16>
    %dot_general3A_23 = arith.constant dense<0.000000e+00> : vector<256x64xf32>
    %dot_general3A_24 = tpu.matmul %convert_element_type3A_19, %get3A_22, %dot_general3A_23 {dimension_numbers = #tpu.dot_dimension_numbers<[1], [0], [0], [1], [0, 0, 1, 1], [], []>, transpose_lhs_hint = false} : vector<256x128xbf16>, vector<128x64xbf16>, vector<256x64xf32> -> vector<256x64xf32>
    %get3A_25 = arith.constant 0 : index
    %get3A_26 = arith.constant 0 : index
    %get3A_27 = vector.load %arg5[%get3A_25, %get3A_26] : memref<1x64xf32, #tpu.memory_space<vmem>>, vector<1x64xf32>
    %add3A_28 = vector.broadcast %get3A_27 : vector<1x64xf32> to vector<256x64xf32>
    %add3A_29 = arith.addf %dot_general3A_24, %add3A_28 : vector<256x64xf32>
    %mul3A_30 = arith.mulf %add3A_29, %add3A_29 : vector<256x64xf32>
    %reduce_sum3A = arith.constant dense<0.000000e+00> : vector<256xf32>
    %reduce_sum3A_31 = vector.multi_reduction <add>, %mul3A_30, %reduce_sum3A [1] : vector<256x64xf32> to vector<256xf32>
    %broadcast_in_dim3A = vector.shape_cast %reduce_sum3A_31 : vector<256xf32> to vector<256x1xf32>
    %sqrt3A = math.sqrt %broadcast_in_dim3A : vector<256x1xf32>
    %max3A = arith.constant 9.99999996E-13 : f32
    %max3A_32 = vector.broadcast %max3A : f32 to vector<256x1xf32>
    %max3A_33 = arith.maximumf %sqrt3A, %max3A_32 : vector<256x1xf32>
    %div3A = vector.broadcast %max3A_33 : vector<256x1xf32> to vector<256x64xf32>
    %div3A_34 = arith.divf %add3A_29, %div3A : vector<256x64xf32>
    %convert_element_type3A_35 = arith.truncf %div3A_34 : vector<256x64xf32> to vector<256x64xbf16>
    %swap3A = arith.constant 0 : index
    %swap3A_36 = arith.constant 0 : index
    %swap3A_37 = vector.load %arg6[%swap3A, %swap3A_36] : memref<256x64xbf16, #tpu.memory_space<vmem>>, vector<256x64xbf16>
    tpu.vector_store %arg6[%swap3A, %swap3A_36], %convert_element_type3A_35 {strides = array<i32>} : memref<256x64xbf16, #tpu.memory_space<vmem>>, vector<256x64xbf16>,
    %swap3A_38 = arith.constant 0 : index
    %swap3A_39 = arith.constant 0 : index
    %swap3A_40 = vector.load %arg7[%swap3A_38, %swap3A_39] : memref<256x2048xf32, #tpu.memory_space<vmem>>, vector<256x2048xf32>
    tpu.vector_store %arg7[%swap3A_38, %swap3A_39], %get3A_1 {strides = array<i32>} : memref<256x2048xf32, #tpu.memory_space<vmem>>, vector<256x2048xf32>,
    return
  }
  func.func @transform_0(%arg0: i32) -> (i32, i32) {
    %c0_i32 = arith.constant 0 : i32
    %c0_i32_0 = arith.constant 0 : i32
    return %arg0, %c0_i32 : i32, i32
  }
  func.func @transform_1(%arg0: i32) -> (i32, i32) {
    %c0_i32 = arith.constant 0 : i32
    %c0_i32_0 = arith.constant 0 : i32
    %c0_i32_1 = arith.constant 0 : i32
    return %c0_i32, %c0_i32_0 : i32, i32
  }
  func.func @transform_2(%arg0: i32) -> (i32, i32) {
    %c0_i32 = arith.constant 0 : i32
    %c0_i32_0 = arith.constant 0 : i32
    %c0_i32_1 = arith.constant 0 : i32
    return %c0_i32, %c0_i32_0 : i32, i32
  }
  func.func @transform_3(%arg0: i32) -> (i32, i32) {
    %c0_i32 = arith.constant 0 : i32
    %c0_i32_0 = arith.constant 0 : i32
    %c0_i32_1 = arith.constant 0 : i32
    return %c0_i32, %c0_i32_0 : i32, i32
  }
  func.func @transform_4(%arg0: i32) -> (i32, i32) {
    %c0_i32 = arith.constant 0 : i32
    %c0_i32_0 = arith.constant 0 : i32
    %c0_i32_1 = arith.constant 0 : i32
    return %c0_i32, %c0_i32_0 : i32, i32
  }
  func.func @transform_5(%arg0: i32) -> (i32, i32) {
    %c0_i32 = arith.constant 0 : i32
    %c0_i32_0 = arith.constant 0 : i32
    return %arg0, %c0_i32 : i32, i32
  }
  func.func @transform_6(%arg0: i32) -> (i32, i32) {
    %c0_i32 = arith.constant 0 : i32
    %c0_i32_0 = arith.constant 0 : i32
    return %arg0, %c0_i32 : i32, i32
  }
}

</mosaic_0001>

<sc_bundles>
// kernel: kernel.5.cloned.1.call-start
scs
__scs_entry_jumppad:
0x0: {  	(pc) =	sbr.rel $0x88, $3  }
0x1: {  	(tag) =	ssettag $0x0;
	lr =	simm.s32 $0x1  }
0x2: {  	[smem:$0x3F9C] =	sst lr;
	_ =	strace $0xD0000000  }
0x3: {  	_ = 	snop  }
0x4: {  	_ = 	snop  }
0x5: {  	_ = 	snop  }
0x6: {  	_ = 	snop  }
0x7: {  	_ = 	snop  }
__scs_overlays_trampoline_lowered:
0x8: {  	[smem:$0x3FAB] =	sst s0  }
0x9: {  	[smem:$0x3FAC] =	sst s1  }
0xa: {  	[smem:$0x3FAD] =	sst s2  }
0xb: {  	[smem:$0x3FAE] =	sst s3  }
0xc: {  	[smem:$0x3FAF] =	sst s4  }
0xd: {  	[smem:$0x3FB0] =	sst s5  }
0xe: {  	[smem:$0x3FB1] =	sst s6  }
0xf: {  	[smem:$0x3FB2] =	sst s7  }
0x10: {  	[smem:$0x3FB3] =	sst s8  }
0x11: {  	[smem:$0x3FB4] =	sst s9;
	s0 =	simm.s32 @!p0 $0x0  }
0x12: {  	s1 =	sld [smem:$0x3F9A];
	s0 =	simm.s32 @p0 $0x1  }
0x13: {  	[smem:$0x3FB5] =	sst s0;
	s0 =	simm.s32 @!p1 $0x0  }
0x14: {  	s2 =	sld [smem:$0x3F99];
	s0 =	simm.s32 @p1 $0x1  }
0x15: {  	[smem:$0x3FB6] =	sst s0;
	s0 =	simm.s32 @!p2 $0x0  }
0x16: {  	s3 =	sld [smem:$0x3FDB];
	s0 =	simm.s32 @p2 $0x1  }
0x17: {  	s4 =	simm.s32 $0x1BF5;
	[smem:$0x3FB8] =	sst s0  }
0x18: {  	s0 =	sld [smem:$0x3F9B];
	_ =	swait.ge [sflag:s4], $0x0  }
0x19: {  	s7 =	sld [smem:$0x3F9C]  }
0x1a: {  	s8 =	sadd.s32 $0xFFFFE003, lr  }
0x1b: {  	s9 =	sadd.s32 $0xFFFFFEF7, lr;
	s5 =	simm.s32 $0xFFFFFFFF;
	p2 =	slt.u32 s8, $0xFFFFF086  }
0x1c: {  	p1 =	slt.u32 s9, $0xF7A;
	s5 =	simm.s32 @!p2 $0x0  }
0x1d: {  	s5 =	simm.s32 @p1 $0x1;
	p0 =	seq.s32 s7, s2  }
0x1e: {  	s7 =	smul.u32 @!p0 $0xF7A, s2;
	p2 =	seq.s32 @!p0 s5, $0x0  }
0x1f: {  	s9 =	smul.u32 $0xF7A, s1;
	s8 =	simm.s32 @!p0 $0x1BF5;
	p2 =	por !p2, p0  }
0x20: {  	[sflag:s8] =	ssyncset.s32 @!p0 $0xFFFFF086;
	s6 =	sadd.s32 @!p0 s3, s7;
	s7 =	simm.s32 @!p0 $0x108  }
0x21: {  	s3 =	sadd.s32 s3, s9;
	s6 =	sadd.s32 @!p0 $0x88, s6;
	s7 =	simm.s32 @p2 $0x1082  }
0x22: {  	[simem:s7], [sflag:s8] =	dma.local @!p0 [hbm:s6], $0xF7A  }
0x23: {  	s9 =	sor.u32 $0xD0000000, s2;
	s6 =	simm.s32 $0x108;
	_ =	swait.ge @!p0 [sflag:s8], $0x0  }
0x24: {  	s3 =	sadd.s32 $0x88, s3;
	s6 =	simm.s32 @!p1 $0x1082;
	[sflag:s4] =	ssyncset.s32 $0xFFFFF086  }
0x25: {  	[simem:s6], [sflag:s4] =	dma.local [hbm:s3], $0xF7A  }
0x26: {  	[smem:$0x3F9C] =	sst s1;
	(tag) =	ssettag s2;
	_ =	strace s9  }
0x27: {  	s1 =	sld [smem:$0x3FAC]  }
0x28: {  	s2 =	sld [smem:$0x3FAD]  }
0x29: {  	s4 =	sld [smem:$0x3FAF]  }
0x2a: {  	p0 =	seq.s32 s5, $0x0;
	s5 =	sld [smem:$0x3FB0]  }
0x2b: {  	s6 =	sld [smem:$0x3FB1]  }
0x2c: {  	s7 =	sld [smem:$0x3FB2]  }
0x2d: {  	s3 =	simm.s32 $0x108;
	s8 =	sld [smem:$0x3FB3]  }
0x2e: {  	s3 =	simm.s32 @!p0 $0x1082;
	s9 =	sld [smem:$0x3FB4]  }
0x2f: {  	lr =	sadd.s32 s0, s3;
	s0 =	sld [smem:$0x3FAB]  }
0x30: {  	s3 =	sld [smem:$0x3FAE]  }
0x31: {  	[smem:$0x3FB7] =	sst s10  }
0x32: {  	s10 =	sld [smem:$0x3FB5];
	_ =	sdelay $0x3  }
0x33: {  	p0 =	seq.s32 s10, $0x1;
	s10 =	sld [smem:$0x3FB7];
	_ =	sdelay $0x3  }
0x34: {  	[smem:$0x3FB7] =	sst s10  }
0x35: {  	s10 =	sld [smem:$0x3FB6];
	_ =	sdelay $0x3  }
0x36: {  	p1 =	seq.s32 s10, $0x1;
	s10 =	sld [smem:$0x3FB7];
	_ =	sdelay $0x3  }
0x37: {  	[smem:$0x3FB7] =	sst s10  }
0x38: {  	s10 =	sld [smem:$0x3FB8]  }
0x39: {  	_ = 	snop;
	(pc) =	sbr.ind lr, $3  }
0x3a: {  	_ = 	snop  }
0x3b: {  	_ = 	snop  }
0x3c: {  	p2 =	seq.s32 s10, $0x1;
	s10 =	sld [smem:$0x3FB7]  }
0x3d: {  	_ =	shalt  }
0x3e: {  	_ =	shalt  }
0x3f: {  	_ =	shalt  }
0x40: {  	_ =	shalt  }
0x41: {  	_ =	shalt  }
0x42: {  	_ =	shalt  }
0x43: {  	_ =	shalt  }
0x44: {  	_ =	shalt  }
0x45: {  	_ =	shalt  }
0x46: {  	_ =	shalt  }
0x47: {  	_ =	shalt  }
0x48: {  	_ =	shalt  }
0x49: {  	_ =	shalt  }
0x4a: {  	_ =	shalt  }
0x4b: {  	_ =	shalt  }
0x4c: {  	_ =	shalt  }
0x4d: {  	_ =	shalt  }
0x4e: {  	_ =	shalt  }
0x4f: {  	_ =	shalt  }
0x50: {  	_ =	shalt  }
0x51: {  	_ =	shalt  }
0x52: {  	_ =	shalt  }
0x53: {  	_ =	shalt  }
0x54: {  	_ =	shalt  }
0x55: {  	_ =	shalt  }
0x56: {  	_ =	shalt  }
0x57: {  	_ =	shalt  }
0x58: {  	_ =	shalt  }
0x59: {  	_ =	shalt  }
0x5a: {  	_ =	shalt  }
0x5b: {  	_ =	shalt  }
0x5c: {  	_ =	shalt  }
0x5d: {  	_ =	shalt  }
0x5e: {  	_ =	shalt  }
0x5f: {  	_ =	shalt  }
0x60: {  	_ =	shalt  }
0x61: {  	_ =	shalt  }
0x62: {  	_ =	shalt  }
0x63: {  	_ =	shalt  }
0x64: {  	_ =	shalt  }
0x65: {  	_ =	shalt  }
0x66: {  	_ =	shalt  }
0x67: {  	_ =	shalt  }
0x68: {  	_ =	shalt  }
0x69: {  	_ =	shalt  }
0x6a: {  	_ =	shalt  }
0x6b: {  	_ =	shalt  }
0x6c: {  	_ =	shalt  }
0x6d: {  	_ =	shalt  }
0x6e: {  	_ =	shalt  }
0x6f: {  	_ =	shalt  }
0x70: {  	_ =	shalt  }
0x71: {  	_ =	shalt  }
0x72: {  	_ =	shalt  }
0x73: {  	_ =	shalt  }
0x74: {  	_ =	shalt  }
0x75: {  	_ =	shalt  }
0x76: {  	_ =	shalt  }
0x77: {  	_ =	shalt  }
0x78: {  	_ =	shalt  }
0x79: {  	_ =	shalt  }
0x7a: {  	_ =	shalt  }
0x7b: {  	_ =	shalt  }
0x7c: {  	_ =	shalt  }
0x7d: {  	_ =	shalt  }
0x7e: {  	_ =	shalt  }
0x7f: {  	_ =	shalt  }
0x80: {  	_ =	shalt  }
0x81: {  	_ =	shalt  }
0x82: {  	_ =	shalt  }
0x83: {  	_ =	shalt  }
0x84: {  	_ =	shalt  }
0x85: {  	_ =	shalt  }
0x86: {  	_ =	shalt  }
0x87: {  	_ =	shalt  }
.Lfunc_end0:
.L_simem_size_0:
called_computation_lowered:
.L_overlay_start_0:
0x88: {  	s2 =	sld [smem:$0x3FD9]  }
0x89: {  	s3 =	sld [smem:$0x3FFE];
	_ =	sdelay $0x1  }
0x8a: {  	s1 =	srdreg.scid  }
0x8b: {  	s0 =	sand.u32 $0x1, s1  }
0x8c: {  	s14 =	sshll.u32 s0, $0xA;
	s2 =	sadd.s32 s3, s2  }
0x8d: {  	s2 =	sadd.s32 s2, s14  }
0x8e: {  	[smem:$0x3FC3] =	sst s2  }
0x8f: {  	_ = 	snop  }
0x90: {  	s2 =	sld [smem:$0x3FD0];
	_ =	sdelay $0x2  }
0x91: {  	s4 =	simm.s32 $0xA;
	s5 =	simm.s32 $0x10;
	s15 =	sld [smem:$0x3FC9]  }
0x92: {  	[smem:s5], [sflag:s4] =	dma.local [hbm:s2], $0x1  }
0x93: {  	_ =	swait.eq [sflag:s4], $0x1  }
0x94: {  	[sflag:s4] =	ssyncset.done $0x0  }
0x95: {  	[sflag:s4] =	ssyncadd.s32 $0xFFFFFFFF  }
0x96: {  	s16 =	sld [smem:$0x10];
	(tm) =	ssettm $0x1  }
0x97: {  	s17 =	sld [smem:$0x3FFB];
	_ =	sdelay $0x3  }
0x98: {  	_ =	strace s17  }
0x99: {  	s4 =	sld [smem:$0x3FFC];
	_ =	sdelay $0x3  }
0x9a: {  	_ =	strace s4  }
0x9b: {  	s4 =	sld [smem:$0x3FFD];
	_ =	sdelay $0x3  }
0x9c: {  	_ =	strace s4  }
0x9d: {  	_ =	strace $0x8FFFFFFF  }
0x9e: {  	s18 =	sld [smem:$0x3FDB];
	_ =	sdelay $0x1  }
0x9f: {  	s19 =	simm.s32 $_scs_section_size  }
0xa0: {  	s6 =	simm.s32 $_size__tile_overlayer_lowered;
	s7 =	simm.s32 $_tile_overlayer_lowered  }
0xa1: {  	s22 =	simm.s32 $0x1BFF;
	s21 =	sshll.u32 s7, $0x1;
	s4 =	sadd.s32 s19, s18  }
0xa2: {  	s8 =	simm.s32 $0x0;
	s20 =	sshll.u32 s6, $0x1;
	s6 =	sadd.s32 s21, s4  }
0xa3: {  	[timem:s8], [sflag:s22] =	dma.local [hbm:s6], s20  }
0xa4: {  	_ =	swait.ge [sflag:s22], s20  }
0xa5: {  	s5 =	ssub.s32 $0x0, s20;
	[sflag:s22] =	ssyncset.done $0x0  }
0xa6: {  	[sflag:s22] =	ssyncadd.s32 s5;
	_ =	sdelay $0x1  }
0xa7: {  	s23 =	simm.s32 $0x1B8B  }
0xa8: {  	_ =	swait.ge [sflag:s23], $0x1  }
0xa9: {  	[sflag:s23] =	ssyncset.done $0x0  }
0xaa: {  	s25 =	simm.s32 $0x1B8E;
	s24 =	sld [smem:$0x3FFE];
	[sflag:s23] =	ssyncadd.s32 $0xFFFFFFFF  }
0xab: {  	s26 =	simm.s32 $execute0_lowered;
	[smem:$0x3FD2] =	sst s25  }
0xac: {  	s6 =	sshll.u32 s26, $0x1;
	_ =	strace $0x80000046;
	[dreg:$0x1] =	wrdreg $0xFFFFFFFF  }
0xad: {  	s28 =	simm.s32 $_size_execute0_lowered;
	s4 =	sadd.s32 s4, s6;
	[dreg:$0x0] =	wrdreg $0x0  }
0xae: {  	s6 =	sshll.u32 s28, $0x1;
	[dreg:$0x2] =	wrdreg s4  }
0xaf: {  	[dreg:$0x3] =	wrdreg s6  }
0xb0: {  	[dreg:$0x4] =	wrdreg $0xC0  }
0xb1: {  	_ =	task [dreg:s8], $0x5FFFF  }
0xb2: {  	[dreg:$0x1] =	wrdreg $0xFFFFFFFF  }
0xb3: {  	[dreg:$0x0] =	wrdreg $0x60  }
0xb4: {  	[dreg:$0x2] =	wrdreg s15  }
0xb5: {  	[dreg:$0x3] =	wrdreg s24  }
0xb6: {  	[dreg:$0x4] =	wrdreg s16  }
0xb7: {  	[dreg:$0x5] =	wrdreg $0x9  }
0xb8: {  	_ =	task.clear_ibuf [dreg:s8], $0x6FFFF;
	_ =	strace $0x90000046  }
0xb9: {  	s29 =	simm.s32 $0x9;
	_ =	strace $0x80000048  }
0xba: {  	_ =	swait.ge [sflag:s29], $0x1  }
0xbb: {  	[sflag:s29] =	ssyncadd.s32 $0xFFFFFFFF  }
0xbc: {  	_ =	strace $0x90000048  }
0xbd: {  	_ =	sfence  }
0xbe: {  	s30 =	sld [smem:$0x0];
	_ =	sdelay $0x2  }
0xbf: {  	s31 =	sshll.u32 s1, $0xD;
	s1 =	sshrl.u32 s1, $0x2  }
0xc0: {  	s3 =	sand.u32 $0x4000, s31;
	s1 =	sadd.s32 s1, s30  }
0xc1: {  	s0 =	sor.u32 s3, s0;
	s1 =	sshll.u32 s1, $0x11  }
0xc2: {  	s0 =	sor.u32 s1, s0  }
0xc3: {  	s0 =	sadd.s32 $0x8F2B, s0  }
0xc4: {  	[sflag:s0] =	ssyncadd.remote.s32 $0x1  }
0xc5: {  	_ =	sfence.sel $0xFFFF  }
0xc6: {  	[dreg:$0x0] =	wrdreg $0xFFFFFFFF;
	(pc) =	sbr.abs _section_cstart, $3  }
0xc7: {  	[dreg:$0x1] =	wrdreg $0xFFFFFFFF  }
0xc8: {  	_ =	task.clear_ibuf [dreg:s8], $0x2FFFF;
	_ =	strace $0x9FFFFFFF  }
0xc9: {  	(tm) =	ssettm $0x7FFFFFFF  }
tec
execute0_lowered:
.L_overlay_start_1:
0x0: {  	(tag) =	ssettag $0x1  }
0x1: {  	s1 =	rddreg [dreg:$0x0]  }
0x2: {  	s2 =	rddreg [dreg:$0x1]  }
0x3: {  	s0 =	rddreg [dreg:$0x2];
	s3 =	srdreg.scid  }
0x4: {  	s5 =	stileid.u32;
	s4 =	sand.u32 $0x1, s3;
	s3 =	simm.s32 $0x0  }
0x5: {  	s5 =	sshll.u32 s5, $0x9;
	s2 =	sadd.s32 $0xE00, s2;
	s6 =	sshll.u32 s4, $0x8  }
0x6: {  	[smem:$0x7FF] =	sst s3;
	s4 =	ssub.s32 $0x2, s4;
	s10 =	sor.u32 s6, s5  }
0x7: {  	_ =	strace $0x80000047;
	s12 =	sshrl.u32 s4, $0x1;
	s6 =	sadd.s32 $0x300, s1  }
0x8: {  	s5 =	sshrl.u32 s10, $0x3;
	s11 =	ssub.s32 s4, s12;
	s4 =	sadd.s32 $0x100, s1  }
0x9: {  	s7 =	sshll.u32 s10, $0x8;
	s8 =	sor.u32 $0x20, s10;
	s14 =	sor.u32 $0x40, s10  }
0xa: {  	s12 =	sor.u32 $0x60, s10;
	s20 =	sor.u32 $0x80, s10;
	s26 =	sor.u32 $0xC0, s10  }
0xb: {  	s5 =	sadd.s32 s2, s5;
	s7 =	sadd.s32 s0, s7;
	s9 =	sshrl.u32 s8, $0x3  }
0xc: {  	s8 =	sshll.u32 s8, $0x8;
	s15 =	sshrl.u32 s14, $0x3;
	s17 =	sshrl.u32 s12, $0x3  }
0xd: {  	s19 =	sshll.u32 s12, $0x8;
	s21 =	sshrl.u32 s20, $0x3;
	[dreg:$0x4] =	wrdreg s5  }
0xe: {  	s12 =	sshll.u32 s20, $0x8;
	[dreg:$0x5] =	wrdreg s7;
	s13 =	sadd.s32 s2, s9  }
0xf: {  	s28 =	sshrl.u32 s26, $0x3;
	s8 =	sadd.s32 s0, s8;
	[dreg:$0x6] =	wrdreg s13  }
0x10: {  	s5 =	sadd.s32 $0x200, s1;
	s18 =	sadd.s32 s2, s17;
	[dreg:$0x7] =	wrdreg s8  }
0x11: {  	s7 =	sadd.s32 $0x400, s1;
	s22 =	sadd.s32 s0, s12;
	[dreg:$0xa] =	wrdreg s18  }
0x12: {  	s9 =	sshll.u32 s14, $0x8;
	s8 =	sadd.s32 s2, s15;
	[dreg:$0xd] =	wrdreg s22  }
0x13: {  	s16 =	sadd.s32 s0, s9;
	s9 =	sadd.s32 s0, s19;
	[dreg:$0x8] =	wrdreg s8  }
0x14: {  	s13 =	sor.u32 $0xA0, s10;
	s10 =	sor.u32 $0xE0, s10;
	[dreg:$0x9] =	wrdreg s16  }
0x15: {  	s8 =	sadd.s32 $0x500, s1;
	[dreg:$0xb] =	wrdreg s9;
	s9 =	sadd.s32 s2, s21  }
0x16: {  	s23 =	sshrl.u32 s13, $0x3;
	s25 =	sshll.u32 s13, $0x8;
	s13 =	sshll.u32 s26, $0x8  }
0x17: {  	s30 =	sshrl.u32 s10, $0x3;
	[dreg:$0xc] =	wrdreg s9;
	s24 =	sadd.s32 s2, s23  }
0x18: {  	s31 =	sshll.u32 s10, $0x8;
	s12 =	sadd.s32 s0, s25;
	[dreg:$0xe] =	wrdreg s24  }
0x19: {  	s10 =	sadd.s32 $0x700, s1;
	s29 =	sadd.s32 s0, s13;
	[dreg:$0xf] =	wrdreg s12  }
0x1a: {  	s21 =	smax.u32 s11, $0x1;
	s0 =	sadd.s32 s0, s31;
	[dreg:$0x11] =	wrdreg s29  }
0x1b: {  	v2 =	vlaneseq.u32;
	s26 =	simm.s32 $0x1;
	s12 =	sadd.s32 s2, s28;
	[dreg:$0x13] =	wrdreg s0  }
0x1c: {  	vm0 =	vmmov $0xffff;
	v1 =	vshrl.u32 v2, $0x3;
	s9 =	sadd.s32 $0x600, s1;
	s2 =	sadd.s32 s2, s30;
	[dreg:$0x10] =	wrdreg s12  }
0x1d: {  	v0 =	vand.u32 $0x7, v2;
	v2 =	vor.u32 $0x8, v2;
	v1 =	vmul.u32 $0x8, v1;
	s13 =	simm.s32 $0x80;
	[dreg:$0x12] =	wrdreg s2;
	s12 =	simm.s32 $0x2  }
.LBB2_1:
0x1e: {  	s28 =	rddreg [dreg:$0x4]  }
0x1f: {  	[tilespmem:s3], [sflag:$0x2] =	stream.linear.gather [hbm4b:s28+s3], $0x20, $0x38;
	[tilespmem:$0x10080] =	vst v63  }
0x20: {  	_ =	swait.ge [sflag:s12], $0x20  }
0x21: {  	[sflag:s12] =	ssyncset.done $0x0  }
0x22: {  	[sflag:s12] =	ssyncadd.s32 $0xFFFFFFE0  }
0x23: {  	v3 =	vld [tilespmem:$0x0];
	_ =	sdelay $0x4  }
0x24: {  	v4 =	vshll.u32 v3, $0x4  }
0x25: {  	v3 =	vand.u32 $0x7, v3;
	v4 =	vand.u32 $0xFFFFFF80, v4  }
0x26: {  	v3 =	vor.u32 v3, v4  }
0x27: {  	v4 =	vperm.xlane v3, v0;
	_ =	sdelay $0x1  }
0x28: {  	v4 =	vadd.s32 v1, v4;
	_ =	sdelay $0x4  }
0x29: {  	[tilespmem:s13], [sflag:$0x1] =	stream.indirect_vreg.gather [hbm4b:s1+s3], $0x80, v4, vm0, $0xb8;
	[tilespmem:$0x10080] =	vst v63  }
0x2a: {  	s0 =	simm.s32 $0x880  }
0x2b: {  	[tilespmem:s0], [sflag:$0x1] =	stream.indirect_vreg.gather [hbm4b:s4+s3], $0x80, v4, vm0, $0xb8;
	[tilespmem:$0x10080] =	vst v63  }
0x2c: {  	s14 =	simm.s32 $0x1080  }
0x2d: {  	[tilespmem:s14], [sflag:$0x1] =	stream.indirect_vreg.gather [hbm4b:s5+s3], $0x80, v4, vm0, $0xb8;
	[tilespmem:$0x10080] =	vst v63  }
0x2e: {  	s15 =	simm.s32 $0x1880  }
0x2f: {  	[tilespmem:s15], [sflag:$0x1] =	stream.indirect_vreg.gather [hbm4b:s6+s3], $0x80, v4, vm0, $0xb8;
	[tilespmem:$0x10080] =	vst v63  }
0x30: {  	s16 =	simm.s32 $0x2080  }
0x31: {  	[tilespmem:s16], [sflag:$0x1] =	stream.indirect_vreg.gather [hbm4b:s7+s3], $0x80, v4, vm0, $0xb8;
	[tilespmem:$0x10080] =	vst v63  }
0x32: {  	s17 =	simm.s32 $0x2880;
	v3 =	vperm.xlane v3, v2  }
0x33: {  	[tilespmem:s17], [sflag:$0x1] =	stream.indirect_vreg.gather [hbm4b:s8+s3], $0x80, v4, vm0, $0xb8;
	[tilespmem:$0x10080] =	vst v63  }
0x34: {  	s18 =	simm.s32 $0x3080;
	v3 =	vadd.s32 v1, v3  }
0x35: {  	[tilespmem:s18], [sflag:$0x1] =	stream.indirect_vreg.gather [hbm4b:s9+s3], $0x80, v4, vm0, $0xb8;
	[tilespmem:$0x10080] =	vst v63  }
0x36: {  	s19 =	simm.s32 $0x3880  }
0x37: {  	[tilespmem:s19], [sflag:$0x1] =	stream.indirect_vreg.gather [hbm4b:s10+s3], $0x80, v4, vm0, $0xb8;
	[tilespmem:$0x10080] =	vst v63  }
0x38: {  	s20 =	simm.s32 $0x4080  }
0x39: {  	[tilespmem:s20], [sflag:$0x1] =	stream.indirect_vreg.gather [hbm4b:s1+s3], $0x80, v3, vm0, $0xb8;
	[tilespmem:$0x10080] =	vst v63  }
0x3a: {  	s22 =	simm.s32 $0x4880  }
0x3b: {  	[tilespmem:s22], [sflag:$0x1] =	stream.indirect_vreg.gather [hbm4b:s4+s3], $0x80, v3, vm0, $0xb8;
	[tilespmem:$0x10080] =	vst v63  }
0x3c: {  	s23 =	simm.s32 $0x5080  }
0x3d: {  	[tilespmem:s23], [sflag:$0x1] =	stream.indirect_vreg.gather [hbm4b:s5+s3], $0x80, v3, vm0, $0xb8;
	[tilespmem:$0x10080] =	vst v63  }
0x3e: {  	s24 =	simm.s32 $0x5880  }
0x3f: {  	[tilespmem:s24], [sflag:$0x1] =	stream.indirect_vreg.gather [hbm4b:s6+s3], $0x80, v3, vm0, $0xb8;
	[tilespmem:$0x10080] =	vst v63  }
0x40: {  	s25 =	simm.s32 $0x6080  }
0x41: {  	[tilespmem:s25], [sflag:$0x1] =	stream.indirect_vreg.gather [hbm4b:s7+s3], $0x80, v3, vm0, $0xb8;
	[tilespmem:$0x10080] =	vst v63  }
0x42: {  	s28 =	simm.s32 $0x6880  }
0x43: {  	[tilespmem:s28], [sflag:$0x1] =	stream.indirect_vreg.gather [hbm4b:s8+s3], $0x80, v3, vm0, $0xb8;
	[tilespmem:$0x10080] =	vst v63  }
0x44: {  	s29 =	simm.s32 $0x7080  }
0x45: {  	[tilespmem:s29], [sflag:$0x1] =	stream.indirect_vreg.gather [hbm4b:s9+s3], $0x80, v3, vm0, $0xb8;
	[tilespmem:$0x10080] =	vst v63  }
0x46: {  	s30 =	simm.s32 $0x7880  }
0x47: {  	[tilespmem:s30], [sflag:$0x1] =	stream.indirect_vreg.gather [hbm4b:s10+s3], $0x80, v3, vm0, $0xb8;
	[tilespmem:$0x10080] =	vst v63  }
0x48: {  	v3 =	vld [tilespmem:$0x10];
	_ =	sdelay $0x4  }
0x49: {  	v49 =	vshll.u32 v3, $0x4  }
0x4a: {  	v3 =	vand.u32 $0x7, v3;
	v4 =	vand.u32 $0xFFFFFF80, v49  }
0x4b: {  	v3 =	vor.u32 v3, v4  }
0x4c: {  	v4 =	vperm.xlane v3, v0;
	_ =	sdelay $0x1  }
0x4d: {  	v4 =	vadd.s32 v1, v4;
	_ =	sdelay $0x3  }
0x4e: {  	s31 =	simm.s32 $0x8080  }
0x4f: {  	[tilespmem:s31], [sflag:$0x1] =	stream.indirect_vreg.gather [hbm4b:s1+s3], $0x80, v4, vm0, $0xb8;
	[tilespmem:$0x10080] =	vst v63  }
0x50: {  	s17 =	simm.s32 $0x8880  }
0x51: {  	[tilespmem:s17], [sflag:$0x1] =	stream.indirect_vreg.gather [hbm4b:s4+s3], $0x80, v4, vm0, $0xb8;
	[tilespmem:$0x10080] =	vst v63  }
0x52: {  	s18 =	simm.s32 $0x9080  }
0x53: {  	[tilespmem:s18], [sflag:$0x1] =	stream.indirect_vreg.gather [hbm4b:s5+s3], $0x80, v4, vm0, $0xb8;
	[tilespmem:$0x10080] =	vst v63  }
0x54: {  	s19 =	simm.s32 $0x9880  }
0x55: {  	[tilespmem:s19], [sflag:$0x1] =	stream.indirect_vreg.gather [hbm4b:s6+s3], $0x80, v4, vm0, $0xb8;
	[tilespmem:$0x10080] =	vst v63  }
0x56: {  	s20 =	simm.s32 $0xA080  }
0x57: {  	[tilespmem:s20], [sflag:$0x1] =	stream.indirect_vreg.gather [hbm4b:s7+s3], $0x80, v4, vm0, $0xb8;
	[tilespmem:$0x10080] =	vst v63  }
0x58: {  	s25 =	simm.s32 $0xA880;
	v3 =	vperm.xlane v3, v2  }
0x59: {  	[tilespmem:s25], [sflag:$0x1] =	stream.indirect_vreg.gather [hbm4b:s8+s3], $0x80, v4, vm0, $0xb8;
	[tilespmem:$0x10080] =	vst v63  }
0x5a: {  	s29 =	simm.s32 $0xB080;
	v3 =	vadd.s32 v1, v3  }
0x5b: {  	[tilespmem:s29], [sflag:$0x1] =	stream.indirect_vreg.gather [hbm4b:s9+s3], $0x80, v4, vm0, $0xb8;
	[tilespmem:$0x10080] =	vst v63  }
0x5c: {  	s30 =	simm.s32 $0xB880  }
0x5d: {  	[tilespmem:s30], [sflag:$0x1] =	stream.indirect_vreg.gather [hbm4b:s10+s3], $0x80, v4, vm0, $0xb8;
	[tilespmem:$0x10080] =	vst v63  }
0x5e: {  	s31 =	simm.s32 $0xC080  }
0x5f: {  	[tilespmem:s31], [sflag:$0x1] =	stream.indirect_vreg.gather [hbm4b:s1+s3], $0x80, v3, vm0, $0xb8;
	[tilespmem:$0x10080] =	vst v63  }
0x60: {  	s0 =	simm.s32 $0xC880  }
0x61: {  	[tilespmem:s0], [sflag:$0x1] =	stream.indirect_vreg.gather [hbm4b:s4+s3], $0x80, v3, vm0, $0xb8;
	[tilespmem:$0x10080] =	vst v63  }
0x62: {  	s17 =	simm.s32 $0xD080  }
0x63: {  	[tilespmem:s17], [sflag:$0x1] =	stream.indirect_vreg.gather [hbm4b:s5+s3], $0x80, v3, vm0, $0xb8;
	[tilespmem:$0x10080] =	vst v63  }
0x64: {  	s20 =	simm.s32 $0xD880  }
0x65: {  	[tilespmem:s20], [sflag:$0x1] =	stream.indirect_vreg.gather [hbm4b:s6+s3], $0x80, v3, vm0, $0xb8;
	[tilespmem:$0x10080] =	vst v63  }
0x66: {  	s25 =	simm.s32 $0xE080  }
0x67: {  	[tilespmem:s25], [sflag:$0x1] =	stream.indirect_vreg.gather [hbm4b:s7+s3], $0x80, v3, vm0, $0xb8;
	[tilespmem:$0x10080] =	vst v63  }
0x68: {  	s29 =	simm.s32 $0xE880  }
0x69: {  	[tilespmem:s29], [sflag:$0x1] =	stream.indirect_vreg.gather [hbm4b:s8+s3], $0x80, v3, vm0, $0xb8;
	[tilespmem:$0x10080] =	vst v63  }
0x6a: {  	s30 =	simm.s32 $0xF080  }
0x6b: {  	[tilespmem:s30], [sflag:$0x1] =	stream.indirect_vreg.gather [hbm4b:s9+s3], $0x80, v3, vm0, $0xb8;
	[tilespmem:$0x10080] =	vst v63  }
0x6c: {  	s31 =	simm.s32 $0xF880  }
0x6d: {  	[tilespmem:s31], [sflag:$0x1] =	stream.indirect_vreg.gather [hbm4b:s10+s3], $0x80, v3, vm0, $0xb8;
	[tilespmem:$0x10080] =	vst v63  }
0x6e: {  	_ =	swait.ge [sflag:s26], $0x10000  }
0x6f: {  	[sflag:s26] =	ssyncset.done $0x0  }
0x70: {  	s0 =	rddreg [dreg:$0x5];
	[sflag:s26] =	ssyncadd.s32 $0xFFFF0000  }
0x71: {  	[hbm4b:s0+s3] =	stream.linear.scatter [tilespmem:s13], [sflag:$0x2], $0x10000, $0x38;
	[tilespmem:$0x10080] =	vst v63  }
0x72: {  	_ =	swait.ge [sflag:s12], $0x10000  }
0x73: {  	[sflag:s12] =	ssyncset.done $0x0  }
0x74: {  	s17 =	rddreg [dreg:$0x6];
	[sflag:s12] =	ssyncadd.s32 $0xFFFF0000  }
0x75: {  	[tilespmem:s3], [sflag:$0x2] =	stream.linear.gather [hbm4b:s17+s3], $0x20, $0x38;
	[tilespmem:$0x10080] =	vst v63  }
0x76: {  	_ =	swait.ge [sflag:s12], $0x20  }
0x77: {  	[sflag:s12] =	ssyncset.done $0x0  }
0x78: {  	[sflag:s12] =	ssyncadd.s32 $0xFFFFFFE0  }
0x79: {  	v3 =	vld [tilespmem:$0x0];
	_ =	sdelay $0x4  }
0x7a: {  	v50 =	vshll.u32 v3, $0x4  }
0x7b: {  	v3 =	vand.u32 $0x7, v3;
	v4 =	vand.u32 $0xFFFFFF80, v50  }
0x7c: {  	v3 =	vor.u32 v3, v4  }
0x7d: {  	v4 =	vperm.xlane v3, v0;
	_ =	sdelay $0x1  }
0x7e: {  	v4 =	vadd.s32 v1, v4;
	_ =	sdelay $0x4  }
0x7f: {  	[tilespmem:s13], [sflag:$0x1] =	stream.indirect_vreg.gather [hbm4b:s1+s3], $0x80, v4, vm0, $0xb8;
	[tilespmem:$0x10080] =	vst v63  }
0x80: {  	s2 =	simm.s32 $0x880  }
0x81: {  	[tilespmem:s2], [sflag:$0x1] =	stream.indirect_vreg.gather [hbm4b:s4+s3], $0x80, v4, vm0, $0xb8;
	[tilespmem:$0x10080] =	vst v63  }
0x82: {  	s11 =	simm.s32 $0x1080  }
0x83: {  	[tilespmem:s11], [sflag:$0x1] =	stream.indirect_vreg.gather [hbm4b:s5+s3], $0x80, v4, vm0, $0xb8;
	[tilespmem:$0x10080] =	vst v63  }
0x84: {  	s14 =	simm.s32 $0x1880  }
0x85: {  	[tilespmem:s14], [sflag:$0x1] =	stream.indirect_vreg.gather [hbm4b:s6+s3], $0x80, v4, vm0, $0xb8;
	[tilespmem:$0x10080] =	vst v63  }
0x86: {  	s15 =	simm.s32 $0x2080  }
0x87: {  	[tilespmem:s15], [sflag:$0x1] =	stream.indirect_vreg.gather [hbm4b:s7+s3], $0x80, v4, vm0, $0xb8;
	[tilespmem:$0x10080] =	vst v63  }
0x88: {  	s16 =	simm.s32 $0x2880;
	v3 =	vperm.xlane v3, v2  }
0x89: {  	[tilespmem:s16], [sflag:$0x1] =	stream.indirect_vreg.gather [hbm4b:s8+s3], $0x80, v4, vm0, $0xb8;
	[tilespmem:$0x10080] =	vst v63  }
0x8a: {  	s0 =	simm.s32 $0x3080;
	v3 =	vadd.s32 v1, v3  }
0x8b: {  	[tilespmem:s0], [sflag:$0x1] =	stream.indirect_vreg.gather [hbm4b:s9+s3], $0x80, v4, vm0, $0xb8;
	[tilespmem:$0x10080] =	vst v63  }
0x8c: {  	s2 =	simm.s32 $0x3880  }
0x8d: {  	[tilespmem:s2], [sflag:$0x1] =	stream.indirect_vreg.gather [hbm4b:s10+s3], $0x80, v4, vm0, $0xb8;
	[tilespmem:$0x10080] =	vst v63  }
0x8e: {  	s11 =	simm.s32 $0x4080  }
0x8f: {  	[tilespmem:s11], [sflag:$0x1] =	stream.indirect_vreg.gather [hbm4b:s1+s3], $0x80, v3, vm0, $0xb8;
	[tilespmem:$0x10080] =	vst v63  }
0x90: {  	s25 =	simm.s32 $0x4880  }
0x91: {  	[tilespmem:s25], [sflag:$0x1] =	stream.indirect_vreg.gather [hbm4b:s4+s3], $0x80, v3, vm0, $0xb8;
	[tilespmem:$0x10080] =	vst v63  }
0x92: {  	s29 =	simm.s32 $0x5080  }
0x93: {  	[tilespmem:s29], [sflag:$0x1] =	stream.indirect_vreg.gather [hbm4b:s5+s3], $0x80, v3, vm0, $0xb8;
	[tilespmem:$0x10080] =	vst v63  }
0x94: {  	s30 =	simm.s32 $0x5880  }
0x95: {  	[tilespmem:s30], [sflag:$0x1] =	stream.indirect_vreg.gather [hbm4b:s6+s3], $0x80, v3, vm0, $0xb8;
	[tilespmem:$0x10080] =	vst v63  }
0x96: {  	s31 =	simm.s32 $0x6080  }
0x97: {  	[tilespmem:s31], [sflag:$0x1] =	stream.indirect_vreg.gather [hbm4b:s7+s3], $0x80, v3, vm0, $0xb8;
	[tilespmem:$0x10080] =	vst v63  }
0x98: {  	s14 =	simm.s32 $0x6880  }
0x99: {  	[tilespmem:s14], [sflag:$0x1] =	stream.indirect_vreg.gather [hbm4b:s8+s3], $0x80, v3, vm0, $0xb8;
	[tilespmem:$0x10080] =	vst v63  }
0x9a: {  	s15 =	simm.s32 $0x7080  }
0x9b: {  	[tilespmem:s15], [sflag:$0x1] =	stream.indirect_vreg.gather [hbm4b:s9+s3], $0x80, v3, vm0, $0xb8;
	[tilespmem:$0x10080] =	vst v63  }
0x9c: {  	s17 =	simm.s32 $0x7880  }
0x9d: {  	[tilespmem:s17], [sflag:$0x1] =	stream.indirect_vreg.gather [hbm4b:s10+s3], $0x80, v3, vm0, $0xb8;
	[tilespmem:$0x10080] =	vst v63  }
0x9e: {  	v3 =	vld [tilespmem:$0x10];
	_ =	sdelay $0x4  }
0x9f: {  	v51 =	vshll.u32 v3, $0x4  }
0xa0: {  	v3 =	vand.u32 $0x7, v3;
	v4 =	vand.u32 $0xFFFFFF80, v51  }
0xa1: {  	v3 =	vor.u32 v3, v4  }
0xa2: {  	v4 =	vperm.xlane v3, v0;
	_ =	sdelay $0x1  }
0xa3: {  	v4 =	vadd.s32 v1, v4;
	_ =	sdelay $0x3  }
0xa4: {  	s16 =	simm.s32 $0x8080  }
0xa5: {  	[tilespmem:s16], [sflag:$0x1] =	stream.indirect_vreg.gather [hbm4b:s1+s3], $0x80, v4, vm0, $0xb8;
	[tilespmem:$0x10080] =	vst v63  }
0xa6: {  	s22 =	simm.s32 $0x8880  }
0xa7: {  	[tilespmem:s22], [sflag:$0x1] =	stream.indirect_vreg.gather [hbm4b:s4+s3], $0x80, v4, vm0, $0xb8;
	[tilespmem:$0x10080] =	vst v63  }
0xa8: {  	s23 =	simm.s32 $0x9080  }
0xa9: {  	[tilespmem:s23], [sflag:$0x1] =	stream.indirect_vreg.gather [hbm4b:s5+s3], $0x80, v4, vm0, $0xb8;
	[tilespmem:$0x10080] =	vst v63  }
0xaa: {  	s24 =	simm.s32 $0x9880  }
0xab: {  	[tilespmem:s24], [sflag:$0x1] =	stream.indirect_vreg.gather [hbm4b:s6+s3], $0x80, v4, vm0, $0xb8;
	[tilespmem:$0x10080] =	vst v63  }
0xac: {  	s18 =	simm.s32 $0xA080  }
0xad: {  	[tilespmem:s18], [sflag:$0x1] =	stream.indirect_vreg.gather [hbm4b:s7+s3], $0x80, v4, vm0, $0xb8;
	[tilespmem:$0x10080] =	vst v63  }
0xae: {  	s19 =	simm.s32 $0xA880;
	v3 =	vperm.xlane v3, v2  }
0xaf: {  	[tilespmem:s19], [sflag:$0x1] =	stream.indirect_vreg.gather [hbm4b:s8+s3], $0x80, v4, vm0, $0xb8;
	[tilespmem:$0x10080] =	vst v63  }
0xb0: {  	v3 =	vadd.s32 v1, v3;
	s19 =	simm.s32 $0xB080  }
0xb1: {  	[tilespmem:s19], [sflag:$0x1] =	stream.indirect_vreg.gather [hbm4b:s9+s3], $0x80, v4, vm0, $0xb8;
	[tilespmem:$0x10080] =	vst v63  }
0xb2: {  	s24 =	simm.s32 $0xB880  }
0xb3: {  	[tilespmem:s24], [sflag:$0x1] =	stream.indirect_vreg.gather [hbm4b:s10+s3], $0x80, v4, vm0, $0xb8;
	[tilespmem:$0x10080] =	vst v63  }
0xb4: {  	s28 =	simm.s32 $0xC080  }
0xb5: {  	[tilespmem:s28], [sflag:$0x1] =	stream.indirect_vreg.gather [hbm4b:s1+s3], $0x80, v3, vm0, $0xb8;
	[tilespmem:$0x10080] =	vst v63  }
0xb6: {  	s28 =	simm.s32 $0xC880  }
0xb7: {  	[tilespmem:s28], [sflag:$0x1] =	stream.indirect_vreg.gather [hbm4b:s4+s3], $0x80, v3, vm0, $0xb8;
	[tilespmem:$0x10080] =	vst v63  }
0xb8: {  	s28 =	simm.s32 $0xD080  }
0xb9: {  	[tilespmem:s28], [sflag:$0x1] =	stream.indirect_vreg.gather [hbm4b:s5+s3], $0x80, v3, vm0, $0xb8;
	[tilespmem:$0x10080] =	vst v63  }
0xba: {  	s28 =	simm.s32 $0xD880  }
0xbb: {  	[tilespmem:s28], [sflag:$0x1] =	stream.indirect_vreg.gather [hbm4b:s6+s3], $0x80, v3, vm0, $0xb8;
	[tilespmem:$0x10080] =	vst v63  }
0xbc: {  	s28 =	simm.s32 $0xE080  }
0xbd: {  	[tilespmem:s28], [sflag:$0x1] =	stream.indirect_vreg.gather [hbm4b:s7+s3], $0x80, v3, vm0, $0xb8;
	[tilespmem:$0x10080] =	vst v63  }
0xbe: {  	s28 =	simm.s32 $0xE880  }
0xbf: {  	[tilespmem:s28], [sflag:$0x1] =	stream.indirect_vreg.gather [hbm4b:s8+s3], $0x80, v3, vm0, $0xb8;
	[tilespmem:$0x10080] =	vst v63  }
0xc0: {  	s28 =	simm.s32 $0xF080  }
0xc1: {  	[tilespmem:s28], [sflag:$0x1] =	stream.indirect_vreg.gather [hbm4b:s9+s3], $0x80, v3, vm0, $0xb8;
	[tilespmem:$0x10080] =	vst v63  }
0xc2: {  	s20 =	simm.s32 $0xF880  }
0xc3: {  	[tilespmem:s20], [sflag:$0x1] =	stream.indirect_vreg.gather [hbm4b:s10+s3], $0x80, v3, vm0, $0xb8;
	[tilespmem:$0x10080] =	vst v63  }
0xc4: {  	_ =	swait.ge [sflag:s26], $0x10000  }
0xc5: {  	[sflag:s26] =	ssyncset.done $0x0  }
0xc6: {  	s28 =	rddreg [dreg:$0x7];
	[sflag:s26] =	ssyncadd.s32 $0xFFFF0000  }
0xc7: {  	[hbm4b:s28+s3] =	stream.linear.scatter [tilespmem:s13], [sflag:$0x2], $0x10000, $0x38;
	[tilespmem:$0x10080] =	vst v63  }
0xc8: {  	_ =	swait.ge [sflag:s12], $0x10000  }
0xc9: {  	[sflag:s12] =	ssyncset.done $0x0  }
0xca: {  	s28 =	rddreg [dreg:$0x8];
	[sflag:s12] =	ssyncadd.s32 $0xFFFF0000  }
0xcb: {  	[tilespmem:s3], [sflag:$0x2] =	stream.linear.gather [hbm4b:s28+s3], $0x20, $0x38;
	[tilespmem:$0x10080] =	vst v63  }
0xcc: {  	_ =	swait.ge [sflag:s12], $0x20  }
0xcd: {  	[sflag:s12] =	ssyncset.done $0x0  }
0xce: {  	[sflag:s12] =	ssyncadd.s32 $0xFFFFFFE0  }
0xcf: {  	v3 =	vld [tilespmem:$0x0];
	_ =	sdelay $0x4  }
0xd0: {  	v52 =	vshll.u32 v3, $0x4  }
0xd1: {  	v3 =	vand.u32 $0x7, v3;
	v4 =	vand.u32 $0xFFFFFF80, v52  }
0xd2: {  	v3 =	vor.u32 v3, v4  }
0xd3: {  	v4 =	vperm.xlane v3, v0;
	_ =	sdelay $0x1  }
0xd4: {  	v4 =	vadd.s32 v1, v4;
	_ =	sdelay $0x4  }
0xd5: {  	[tilespmem:s13], [sflag:$0x1] =	stream.indirect_vreg.gather [hbm4b:s1+s3], $0x80, v4, vm0, $0xb8;
	[tilespmem:$0x10080] =	vst v63  }
0xd6: {  	s28 =	simm.s32 $0x880  }
0xd7: {  	[tilespmem:s28], [sflag:$0x1] =	stream.indirect_vreg.gather [hbm4b:s4+s3], $0x80, v4, vm0, $0xb8;
	[tilespmem:$0x10080] =	vst v63  }
0xd8: {  	s28 =	simm.s32 $0x1080  }
0xd9: {  	[tilespmem:s28], [sflag:$0x1] =	stream.indirect_vreg.gather [hbm4b:s5+s3], $0x80, v4, vm0, $0xb8;
	[tilespmem:$0x10080] =	vst v63  }
0xda: {  	s28 =	simm.s32 $0x1880  }
0xdb: {  	[tilespmem:s28], [sflag:$0x1] =	stream.indirect_vreg.gather [hbm4b:s6+s3], $0x80, v4, vm0, $0xb8;
	[tilespmem:$0x10080] =	vst v63  }
0xdc: {  	s28 =	simm.s32 $0x2080  }
0xdd: {  	[tilespmem:s28], [sflag:$0x1] =	stream.indirect_vreg.gather [hbm4b:s7+s3], $0x80, v4, vm0, $0xb8;
	[tilespmem:$0x10080] =	vst v63  }
0xde: {  	v3 =	vperm.xlane v3, v2;
	s28 =	simm.s32 $0x2880  }
0xdf: {  	[tilespmem:s28], [sflag:$0x1] =	stream.indirect_vreg.gather [hbm4b:s8+s3], $0x80, v4, vm0, $0xb8;
	[tilespmem:$0x10080] =	vst v63  }
0xe0: {  	v3 =	vadd.s32 v1, v3  }
0xe1: {  	[tilespmem:s0], [sflag:$0x1] =	stream.indirect_vreg.gather [hbm4b:s9+s3], $0x80, v4, vm0, $0xb8;
	[tilespmem:$0x10080] =	vst v63  }
0xe2: {  	_ = 	snop  }
0xe3: {  	[tilespmem:s2], [sflag:$0x1] =	stream.indirect_vreg.gather [hbm4b:s10+s3], $0x80, v4, vm0, $0xb8;
	[tilespmem:$0x10080] =	vst v63  }
0xe4: {  	_ = 	snop  }
0xe5: {  	[tilespmem:s11], [sflag:$0x1] =	stream.indirect_vreg.gather [hbm4b:s1+s3], $0x80, v3, vm0, $0xb8;
	[tilespmem:$0x10080] =	vst v63  }
0xe6: {  	_ = 	snop  }
0xe7: {  	[tilespmem:s25], [sflag:$0x1] =	stream.indirect_vreg.gather [hbm4b:s4+s3], $0x80, v3, vm0, $0xb8;
	[tilespmem:$0x10080] =	vst v63  }
0xe8: {  	_ = 	snop  }
0xe9: {  	[tilespmem:s29], [sflag:$0x1] =	stream.indirect_vreg.gather [hbm4b:s5+s3], $0x80, v3, vm0, $0xb8;
	[tilespmem:$0x10080] =	vst v63  }
0xea: {  	_ = 	snop  }
0xeb: {  	[tilespmem:s30], [sflag:$0x1] =	stream.indirect_vreg.gather [hbm4b:s6+s3], $0x80, v3, vm0, $0xb8;
	[tilespmem:$0x10080] =	vst v63  }
0xec: {  	_ = 	snop  }
0xed: {  	[tilespmem:s31], [sflag:$0x1] =	stream.indirect_vreg.gather [hbm4b:s7+s3], $0x80, v3, vm0, $0xb8;
	[tilespmem:$0x10080] =	vst v63  }
0xee: {  	_ = 	snop  }
0xef: {  	[tilespmem:s14], [sflag:$0x1] =	stream.indirect_vreg.gather [hbm4b:s8+s3], $0x80, v3, vm0, $0xb8;
	[tilespmem:$0x10080] =	vst v63  }
0xf0: {  	_ = 	snop  }
0xf1: {  	[tilespmem:s15], [sflag:$0x1] =	stream.indirect_vreg.gather [hbm4b:s9+s3], $0x80, v3, vm0, $0xb8;
	[tilespmem:$0x10080] =	vst v63  }
0xf2: {  	_ = 	snop  }
0xf3: {  	[tilespmem:s17], [sflag:$0x1] =	stream.indirect_vreg.gather [hbm4b:s10+s3], $0x80, v3, vm0, $0xb8;
	[tilespmem:$0x10080] =	vst v63  }
0xf4: {  	v3 =	vld [tilespmem:$0x10];
	_ =	sdelay $0x4  }
0xf5: {  	v53 =	vshll.u32 v3, $0x4  }
0xf6: {  	v3 =	vand.u32 $0x7, v3;
	v4 =	vand.u32 $0xFFFFFF80, v53  }
0xf7: {  	v3 =	vor.u32 v3, v4  }
0xf8: {  	v4 =	vperm.xlane v3, v0;
	_ =	sdelay $0x1  }
0xf9: {  	v4 =	vadd.s32 v1, v4;
	_ =	sdelay $0x4  }
0xfa: {  	[tilespmem:s16], [sflag:$0x1] =	stream.indirect_vreg.gather [hbm4b:s1+s3], $0x80, v4, vm0, $0xb8;
	[tilespmem:$0x10080] =	vst v63  }
0xfb: {  	s28 =	simm.s32 $0x8880  }
0xfc: {  	[tilespmem:s28], [sflag:$0x1] =	stream.indirect_vreg.gather [hbm4b:s4+s3], $0x80, v4, vm0, $0xb8;
	[tilespmem:$0x10080] =	vst v63  }
0xfd: {  	s22 =	simm.s32 $0x9080  }
0xfe: {  	[tilespmem:s22], [sflag:$0x1] =	stream.indirect_vreg.gather [hbm4b:s5+s3], $0x80, v4, vm0, $0xb8;
	[tilespmem:$0x10080] =	vst v63  }
0xff: {  	s23 =	simm.s32 $0x9880  }
0x100: {  	[tilespmem:s23], [sflag:$0x1] =	stream.indirect_vreg.gather [hbm4b:s6+s3], $0x80, v4, vm0, $0xb8;
	[tilespmem:$0x10080] =	vst v63  }
0x101: {  	s28 =	simm.s32 $0xA080  }
0x102: {  	[tilespmem:s28], [sflag:$0x1] =	stream.indirect_vreg.gather [hbm4b:s7+s3], $0x80, v4, vm0, $0xb8;
	[tilespmem:$0x10080] =	vst v63  }
0x103: {  	v3 =	vperm.xlane v3, v2;
	s28 =	simm.s32 $0xA880  }
0x104: {  	[tilespmem:s28], [sflag:$0x1] =	stream.indirect_vreg.gather [hbm4b:s8+s3], $0x80, v4, vm0, $0xb8;
	[tilespmem:$0x10080] =	vst v63  }
0x105: {  	s18 =	simm.s32 $0xB080;
	v3 =	vadd.s32 v1, v3  }
0x106: {  	[tilespmem:s18], [sflag:$0x1] =	stream.indirect_vreg.gather [hbm4b:s9+s3], $0x80, v4, vm0, $0xb8;
	[tilespmem:$0x10080] =	vst v63  }
0x107: {  	s19 =	simm.s32 $0xB880  }
0x108: {  	[tilespmem:s19], [sflag:$0x1] =	stream.indirect_vreg.gather [hbm4b:s10+s3], $0x80, v4, vm0, $0xb8;
	[tilespmem:$0x10080] =	vst v63  }
0x109: {  	s24 =	simm.s32 $0xC080  }
0x10a: {  	[tilespmem:s24], [sflag:$0x1] =	stream.indirect_vreg.gather [hbm4b:s1+s3], $0x80, v3, vm0, $0xb8;
	[tilespmem:$0x10080] =	vst v63  }
0x10b: {  	s28 =	simm.s32 $0xC880  }
0x10c: {  	[tilespmem:s28], [sflag:$0x1] =	stream.indirect_vreg.gather [hbm4b:s4+s3], $0x80, v3, vm0, $0xb8;
	[tilespmem:$0x10080] =	vst v63  }
0x10d: {  	s28 =	simm.s32 $0xD080  }
0x10e: {  	[tilespmem:s28], [sflag:$0x1] =	stream.indirect_vreg.gather [hbm4b:s5+s3], $0x80, v3, vm0, $0xb8;
	[tilespmem:$0x10080] =	vst v63  }
0x10f: {  	s28 =	simm.s32 $0xD880  }
0x110: {  	[tilespmem:s28], [sflag:$0x1] =	stream.indirect_vreg.gather [hbm4b:s6+s3], $0x80, v3, vm0, $0xb8;
	[tilespmem:$0x10080] =	vst v63  }
0x111: {  	s28 =	simm.s32 $0xE080  }
0x112: {  	[tilespmem:s28], [sflag:$0x1] =	stream.indirect_vreg.gather [hbm4b:s7+s3], $0x80, v3, vm0, $0xb8;
	[tilespmem:$0x10080] =	vst v63  }
0x113: {  	s28 =	simm.s32 $0xE880  }
0x114: {  	[tilespmem:s28], [sflag:$0x1] =	stream.indirect_vreg.gather [hbm4b:s8+s3], $0x80, v3, vm0, $0xb8;
	[tilespmem:$0x10080] =	vst v63  }
0x115: {  	s28 =	simm.s32 $0xF080  }
0x116: {  	[tilespmem:s28], [sflag:$0x1] =	stream.indirect_vreg.gather [hbm4b:s9+s3], $0x80, v3, vm0, $0xb8;
	[tilespmem:$0x10080] =	vst v63  }
0x117: {  	s20 =	simm.s32 $0xF880  }
0x118: {  	[tilespmem:s20], [sflag:$0x1] =	stream.indirect_vreg.gather [hbm4b:s10+s3], $0x80, v3, vm0, $0xb8;
	[tilespmem:$0x10080] =	vst v63  }
0x119: {  	_ =	swait.ge [sflag:s26], $0x10000  }
0x11a: {  	[sflag:s26] =	ssyncset.done $0x0  }
0x11b: {  	s28 =	rddreg [dreg:$0x9];
	[sflag:s26] =	ssyncadd.s32 $0xFFFF0000  }
0x11c: {  	[hbm4b:s28+s3] =	stream.linear.scatter [tilespmem:s13], [sflag:$0x2], $0x10000, $0x38;
	[tilespmem:$0x10080] =	vst v63  }
0x11d: {  	_ =	swait.ge [sflag:s12], $0x10000  }
0x11e: {  	[sflag:s12] =	ssyncset.done $0x0  }
0x11f: {  	s28 =	rddreg [dreg:$0xa];
	[sflag:s12] =	ssyncadd.s32 $0xFFFF0000  }
0x120: {  	[tilespmem:s3], [sflag:$0x2] =	stream.linear.gather [hbm4b:s28+s3], $0x20, $0x38;
	[tilespmem:$0x10080] =	vst v63  }
0x121: {  	_ =	swait.ge [sflag:s12], $0x20  }
0x122: {  	[sflag:s12] =	ssyncset.done $0x0  }
0x123: {  	[sflag:s12] =	ssyncadd.s32 $0xFFFFFFE0  }
0x124: {  	v3 =	vld [tilespmem:$0x0];
	_ =	sdelay $0x4  }
0x125: {  	v54 =	vshll.u32 v3, $0x4  }
0x126: {  	v3 =	vand.u32 $0x7, v3;
	v4 =	vand.u32 $0xFFFFFF80, v54  }
0x127: {  	v3 =	vor.u32 v3, v4  }
0x128: {  	v4 =	vperm.xlane v3, v0;
	_ =	sdelay $0x1  }
0x129: {  	v4 =	vadd.s32 v1, v4;
	_ =	sdelay $0x4  }
0x12a: {  	[tilespmem:s13], [sflag:$0x1] =	stream.indirect_vreg.gather [hbm4b:s1+s3], $0x80, v4, vm0, $0xb8;
	[tilespmem:$0x10080] =	vst v63  }
0x12b: {  	s28 =	simm.s32 $0x880  }
0x12c: {  	[tilespmem:s28], [sflag:$0x1] =	stream.indirect_vreg.gather [hbm4b:s4+s3], $0x80, v4, vm0, $0xb8;
	[tilespmem:$0x10080] =	vst v63  }
0x12d: {  	s28 =	simm.s32 $0x1080  }
0x12e: {  	[tilespmem:s28], [sflag:$0x1] =	stream.indirect_vreg.gather [hbm4b:s5+s3], $0x80, v4, vm0, $0xb8;
	[tilespmem:$0x10080] =	vst v63  }
0x12f: {  	s28 =	simm.s32 $0x1880  }
0x130: {  	[tilespmem:s28], [sflag:$0x1] =	stream.indirect_vreg.gather [hbm4b:s6+s3], $0x80, v4, vm0, $0xb8;
	[tilespmem:$0x10080] =	vst v63  }
0x131: {  	s28 =	simm.s32 $0x2080  }
0x132: {  	[tilespmem:s28], [sflag:$0x1] =	stream.indirect_vreg.gather [hbm4b:s7+s3], $0x80, v4, vm0, $0xb8;
	[tilespmem:$0x10080] =	vst v63  }
0x133: {  	v3 =	vperm.xlane v3, v2;
	s28 =	simm.s32 $0x2880  }
0x134: {  	[tilespmem:s28], [sflag:$0x1] =	stream.indirect_vreg.gather [hbm4b:s8+s3], $0x80, v4, vm0, $0xb8;
	[tilespmem:$0x10080] =	vst v63  }
0x135: {  	s0 =	simm.s32 $0x3080;
	v3 =	vadd.s32 v1, v3  }
0x136: {  	[tilespmem:s0], [sflag:$0x1] =	stream.indirect_vreg.gather [hbm4b:s9+s3], $0x80, v4, vm0, $0xb8;
	[tilespmem:$0x10080] =	vst v63  }
0x137: {  	s2 =	simm.s32 $0x3880  }
0x138: {  	[tilespmem:s2], [sflag:$0x1] =	stream.indirect_vreg.gather [hbm4b:s10+s3], $0x80, v4, vm0, $0xb8;
	[tilespmem:$0x10080] =	vst v63  }
0x139: {  	s11 =	simm.s32 $0x4080  }
0x13a: {  	[tilespmem:s11], [sflag:$0x1] =	stream.indirect_vreg.gather [hbm4b:s1+s3], $0x80, v3, vm0, $0xb8;
	[tilespmem:$0x10080] =	vst v63  }
0x13b: {  	s25 =	simm.s32 $0x4880  }
0x13c: {  	[tilespmem:s25], [sflag:$0x1] =	stream.indirect_vreg.gather [hbm4b:s4+s3], $0x80, v3, vm0, $0xb8;
	[tilespmem:$0x10080] =	vst v63  }
0x13d: {  	s29 =	simm.s32 $0x5080  }
0x13e: {  	[tilespmem:s29], [sflag:$0x1] =	stream.indirect_vreg.gather [hbm4b:s5+s3], $0x80, v3, vm0, $0xb8;
	[tilespmem:$0x10080] =	vst v63  }
0x13f: {  	s30 =	simm.s32 $0x5880  }
0x140: {  	[tilespmem:s30], [sflag:$0x1] =	stream.indirect_vreg.gather [hbm4b:s6+s3], $0x80, v3, vm0, $0xb8;
	[tilespmem:$0x10080] =	vst v63  }
0x141: {  	s31 =	simm.s32 $0x6080  }
0x142: {  	[tilespmem:s31], [sflag:$0x1] =	stream.indirect_vreg.gather [hbm4b:s7+s3], $0x80, v3, vm0, $0xb8;
	[tilespmem:$0x10080] =	vst v63  }
0x143: {  	s14 =	simm.s32 $0x6880  }
0x144: {  	[tilespmem:s14], [sflag:$0x1] =	stream.indirect_vreg.gather [hbm4b:s8+s3], $0x80, v3, vm0, $0xb8;
	[tilespmem:$0x10080] =	vst v63  }
0x145: {  	s15 =	simm.s32 $0x7080  }
0x146: {  	[tilespmem:s15], [sflag:$0x1] =	stream.indirect_vreg.gather [hbm4b:s9+s3], $0x80, v3, vm0, $0xb8;
	[tilespmem:$0x10080] =	vst v63  }
0x147: {  	s17 =	simm.s32 $0x7880  }
0x148: {  	[tilespmem:s17], [sflag:$0x1] =	stream.indirect_vreg.gather [hbm4b:s10+s3], $0x80, v3, vm0, $0xb8;
	[tilespmem:$0x10080] =	vst v63  }
0x149: {  	v3 =	vld [tilespmem:$0x10];
	_ =	sdelay $0x4  }
0x14a: {  	v55 =	vshll.u32 v3, $0x4  }
0x14b: {  	v3 =	vand.u32 $0x7, v3;
	v4 =	vand.u32 $0xFFFFFF80, v55  }
0x14c: {  	v3 =	vor.u32 v3, v4  }
0x14d: {  	v4 =	vperm.xlane v3, v0;
	_ =	sdelay $0x1  }
0x14e: {  	v4 =	vadd.s32 v1, v4;
	_ =	sdelay $0x3  }
0x14f: {  	s16 =	simm.s32 $0x8080  }
0x150: {  	[tilespmem:s16], [sflag:$0x1] =	stream.indirect_vreg.gather [hbm4b:s1+s3], $0x80, v4, vm0, $0xb8;
	[tilespmem:$0x10080] =	vst v63  }
0x151: {  	s28 =	simm.s32 $0x8880  }
0x152: {  	[tilespmem:s28], [sflag:$0x1] =	stream.indirect_vreg.gather [hbm4b:s4+s3], $0x80, v4, vm0, $0xb8;
	[tilespmem:$0x10080] =	vst v63  }
0x153: {  	s22 =	simm.s32 $0x9080  }
0x154: {  	[tilespmem:s22], [sflag:$0x1] =	stream.indirect_vreg.gather [hbm4b:s5+s3], $0x80, v4, vm0, $0xb8;
	[tilespmem:$0x10080] =	vst v63  }
0x155: {  	s23 =	simm.s32 $0x9880  }
0x156: {  	[tilespmem:s23], [sflag:$0x1] =	stream.indirect_vreg.gather [hbm4b:s6+s3], $0x80, v4, vm0, $0xb8;
	[tilespmem:$0x10080] =	vst v63  }
0x157: {  	s28 =	simm.s32 $0xA080  }
0x158: {  	[tilespmem:s28], [sflag:$0x1] =	stream.indirect_vreg.gather [hbm4b:s7+s3], $0x80, v4, vm0, $0xb8;
	[tilespmem:$0x10080] =	vst v63  }
0x159: {  	v3 =	vperm.xlane v3, v2;
	s28 =	simm.s32 $0xA880  }
0x15a: {  	[tilespmem:s28], [sflag:$0x1] =	stream.indirect_vreg.gather [hbm4b:s8+s3], $0x80, v4, vm0, $0xb8;
	[tilespmem:$0x10080] =	vst v63  }
0x15b: {  	s18 =	simm.s32 $0xB080;
	v3 =	vadd.s32 v1, v3  }
0x15c: {  	[tilespmem:s18], [sflag:$0x1] =	stream.indirect_vreg.gather [hbm4b:s9+s3], $0x80, v4, vm0, $0xb8;
	[tilespmem:$0x10080] =	vst v63  }
0x15d: {  	s19 =	simm.s32 $0xB880  }
0x15e: {  	[tilespmem:s19], [sflag:$0x1] =	stream.indirect_vreg.gather [hbm4b:s10+s3], $0x80, v4, vm0, $0xb8;
	[tilespmem:$0x10080] =	vst v63  }
0x15f: {  	s24 =	simm.s32 $0xC080  }
0x160: {  	[tilespmem:s24], [sflag:$0x1] =	stream.indirect_vreg.gather [hbm4b:s1+s3], $0x80, v3, vm0, $0xb8;
	[tilespmem:$0x10080] =	vst v63  }
0x161: {  	s28 =	simm.s32 $0xC880  }
0x162: {  	[tilespmem:s28], [sflag:$0x1] =	stream.indirect_vreg.gather [hbm4b:s4+s3], $0x80, v3, vm0, $0xb8;
	[tilespmem:$0x10080] =	vst v63  }
0x163: {  	s28 =	simm.s32 $0xD080  }
0x164: {  	[tilespmem:s28], [sflag:$0x1] =	stream.indirect_vreg.gather [hbm4b:s5+s3], $0x80, v3, vm0, $0xb8;
	[tilespmem:$0x10080] =	vst v63  }
0x165: {  	s28 =	simm.s32 $0xD880  }
0x166: {  	[tilespmem:s28], [sflag:$0x1] =	stream.indirect_vreg.gather [hbm4b:s6+s3], $0x80, v3, vm0, $0xb8;
	[tilespmem:$0x10080] =	vst v63  }
0x167: {  	s28 =	simm.s32 $0xE080  }
0x168: {  	[tilespmem:s28], [sflag:$0x1] =	stream.indirect_vreg.gather [hbm4b:s7+s3], $0x80, v3, vm0, $0xb8;
	[tilespmem:$0x10080] =	vst v63  }
0x169: {  	s28 =	simm.s32 $0xE880  }
0x16a: {  	[tilespmem:s28], [sflag:$0x1] =	stream.indirect_vreg.gather [hbm4b:s8+s3], $0x80, v3, vm0, $0xb8;
	[tilespmem:$0x10080] =	vst v63  }
0x16b: {  	s28 =	simm.s32 $0xF080  }
0x16c: {  	[tilespmem:s28], [sflag:$0x1] =	stream.indirect_vreg.gather [hbm4b:s9+s3], $0x80, v3, vm0, $0xb8;
	[tilespmem:$0x10080] =	vst v63  }
0x16d: {  	s20 =	simm.s32 $0xF880  }
0x16e: {  	[tilespmem:s20], [sflag:$0x1] =	stream.indirect_vreg.gather [hbm4b:s10+s3], $0x80, v3, vm0, $0xb8;
	[tilespmem:$0x10080] =	vst v63  }
0x16f: {  	_ =	swait.ge [sflag:s26], $0x10000  }
0x170: {  	[sflag:s26] =	ssyncset.done $0x0  }
0x171: {  	s28 =	rddreg [dreg:$0xb];
	[sflag:s26] =	ssyncadd.s32 $0xFFFF0000  }
0x172: {  	[hbm4b:s28+s3] =	stream.linear.scatter [tilespmem:s13], [sflag:$0x2], $0x10000, $0x38;
	[tilespmem:$0x10080] =	vst v63  }
0x173: {  	_ =	swait.ge [sflag:s12], $0x10000  }
0x174: {  	[sflag:s12] =	ssyncset.done $0x0  }
0x175: {  	s28 =	rddreg [dreg:$0xc];
	[sflag:s12] =	ssyncadd.s32 $0xFFFF0000  }
0x176: {  	[tilespmem:s3], [sflag:$0x2] =	stream.linear.gather [hbm4b:s28+s3], $0x20, $0x38;
	[tilespmem:$0x10080] =	vst v63  }
0x177: {  	_ =	swait.ge [sflag:s12], $0x20  }
0x178: {  	[sflag:s12] =	ssyncset.done $0x0  }
0x179: {  	[sflag:s12] =	ssyncadd.s32 $0xFFFFFFE0  }
0x17a: {  	v3 =	vld [tilespmem:$0x0];
	_ =	sdelay $0x4  }
0x17b: {  	v56 =	vshll.u32 v3, $0x4  }
0x17c: {  	v3 =	vand.u32 $0x7, v3;
	v4 =	vand.u32 $0xFFFFFF80, v56  }
0x17d: {  	v3 =	vor.u32 v3, v4  }
0x17e: {  	v4 =	vperm.xlane v3, v0;
	_ =	sdelay $0x1  }
0x17f: {  	v4 =	vadd.s32 v1, v4;
	_ =	sdelay $0x4  }
0x180: {  	[tilespmem:s13], [sflag:$0x1] =	stream.indirect_vreg.gather [hbm4b:s1+s3], $0x80, v4, vm0, $0xb8;
	[tilespmem:$0x10080] =	vst v63  }
0x181: {  	s28 =	simm.s32 $0x880  }
0x182: {  	[tilespmem:s28], [sflag:$0x1] =	stream.indirect_vreg.gather [hbm4b:s4+s3], $0x80, v4, vm0, $0xb8;
	[tilespmem:$0x10080] =	vst v63  }
0x183: {  	s28 =	simm.s32 $0x1080  }
0x184: {  	[tilespmem:s28], [sflag:$0x1] =	stream.indirect_vreg.gather [hbm4b:s5+s3], $0x80, v4, vm0, $0xb8;
	[tilespmem:$0x10080] =	vst v63  }
0x185: {  	s28 =	simm.s32 $0x1880  }
0x186: {  	[tilespmem:s28], [sflag:$0x1] =	stream.indirect_vreg.gather [hbm4b:s6+s3], $0x80, v4, vm0, $0xb8;
	[tilespmem:$0x10080] =	vst v63  }
0x187: {  	s28 =	simm.s32 $0x2080  }
0x188: {  	[tilespmem:s28], [sflag:$0x1] =	stream.indirect_vreg.gather [hbm4b:s7+s3], $0x80, v4, vm0, $0xb8;
	[tilespmem:$0x10080] =	vst v63  }
0x189: {  	v3 =	vperm.xlane v3, v2;
	s28 =	simm.s32 $0x2880  }
0x18a: {  	[tilespmem:s28], [sflag:$0x1] =	stream.indirect_vreg.gather [hbm4b:s8+s3], $0x80, v4, vm0, $0xb8;
	[tilespmem:$0x10080] =	vst v63  }
0x18b: {  	s0 =	simm.s32 $0x3080;
	v3 =	vadd.s32 v1, v3  }
0x18c: {  	[tilespmem:s0], [sflag:$0x1] =	stream.indirect_vreg.gather [hbm4b:s9+s3], $0x80, v4, vm0, $0xb8;
	[tilespmem:$0x10080] =	vst v63  }
0x18d: {  	s2 =	simm.s32 $0x3880  }
0x18e: {  	[tilespmem:s2], [sflag:$0x1] =	stream.indirect_vreg.gather [hbm4b:s10+s3], $0x80, v4, vm0, $0xb8;
	[tilespmem:$0x10080] =	vst v63  }
0x18f: {  	s11 =	simm.s32 $0x4080  }
0x190: {  	[tilespmem:s11], [sflag:$0x1] =	stream.indirect_vreg.gather [hbm4b:s1+s3], $0x80, v3, vm0, $0xb8;
	[tilespmem:$0x10080] =	vst v63  }
0x191: {  	s25 =	simm.s32 $0x4880  }
0x192: {  	[tilespmem:s25], [sflag:$0x1] =	stream.indirect_vreg.gather [hbm4b:s4+s3], $0x80, v3, vm0, $0xb8;
	[tilespmem:$0x10080] =	vst v63  }
0x193: {  	s29 =	simm.s32 $0x5080  }
0x194: {  	[tilespmem:s29], [sflag:$0x1] =	stream.indirect_vreg.gather [hbm4b:s5+s3], $0x80, v3, vm0, $0xb8;
	[tilespmem:$0x10080] =	vst v63  }
0x195: {  	s30 =	simm.s32 $0x5880  }
0x196: {  	[tilespmem:s30], [sflag:$0x1] =	stream.indirect_vreg.gather [hbm4b:s6+s3], $0x80, v3, vm0, $0xb8;
	[tilespmem:$0x10080] =	vst v63  }
0x197: {  	s31 =	simm.s32 $0x6080  }
0x198: {  	[tilespmem:s31], [sflag:$0x1] =	stream.indirect_vreg.gather [hbm4b:s7+s3], $0x80, v3, vm0, $0xb8;
	[tilespmem:$0x10080] =	vst v63  }
0x199: {  	s14 =	simm.s32 $0x6880  }
0x19a: {  	[tilespmem:s14], [sflag:$0x1] =	stream.indirect_vreg.gather [hbm4b:s8+s3], $0x80, v3, vm0, $0xb8;
	[tilespmem:$0x10080] =	vst v63  }
0x19b: {  	s15 =	simm.s32 $0x7080  }
0x19c: {  	[tilespmem:s15], [sflag:$0x1] =	stream.indirect_vreg.gather [hbm4b:s9+s3], $0x80, v3, vm0, $0xb8;
	[tilespmem:$0x10080] =	vst v63  }
0x19d: {  	s28 =	simm.s32 $0x7880  }
0x19e: {  	[tilespmem:s28], [sflag:$0x1] =	stream.indirect_vreg.gather [hbm4b:s10+s3], $0x80, v3, vm0, $0xb8;
	[tilespmem:$0x10080] =	vst v63  }
0x19f: {  	v3 =	vld [tilespmem:$0x10];
	_ =	sdelay $0x4  }
0x1a0: {  	v57 =	vshll.u32 v3, $0x4  }
0x1a1: {  	v3 =	vand.u32 $0x7, v3;
	v4 =	vand.u32 $0xFFFFFF80, v57  }
0x1a2: {  	v3 =	vor.u32 v3, v4  }
0x1a3: {  	v4 =	vperm.xlane v3, v0;
	_ =	sdelay $0x1  }
0x1a4: {  	v4 =	vadd.s32 v1, v4;
	_ =	sdelay $0x3  }
0x1a5: {  	s16 =	simm.s32 $0x8080  }
0x1a6: {  	[tilespmem:s16], [sflag:$0x1] =	stream.indirect_vreg.gather [hbm4b:s1+s3], $0x80, v4, vm0, $0xb8;
	[tilespmem:$0x10080] =	vst v63  }
0x1a7: {  	s28 =	simm.s32 $0x8880  }
0x1a8: {  	[tilespmem:s28], [sflag:$0x1] =	stream.indirect_vreg.gather [hbm4b:s4+s3], $0x80, v4, vm0, $0xb8;
	[tilespmem:$0x10080] =	vst v63  }
0x1a9: {  	s17 =	simm.s32 $0x9080  }
0x1aa: {  	[tilespmem:s17], [sflag:$0x1] =	stream.indirect_vreg.gather [hbm4b:s5+s3], $0x80, v4, vm0, $0xb8;
	[tilespmem:$0x10080] =	vst v63  }
0x1ab: {  	s23 =	simm.s32 $0x9880  }
0x1ac: {  	[tilespmem:s23], [sflag:$0x1] =	stream.indirect_vreg.gather [hbm4b:s6+s3], $0x80, v4, vm0, $0xb8;
	[tilespmem:$0x10080] =	vst v63  }
0x1ad: {  	s28 =	simm.s32 $0xA080  }
0x1ae: {  	[tilespmem:s28], [sflag:$0x1] =	stream.indirect_vreg.gather [hbm4b:s7+s3], $0x80, v4, vm0, $0xb8;
	[tilespmem:$0x10080] =	vst v63  }
0x1af: {  	v3 =	vperm.xlane v3, v2;
	s28 =	simm.s32 $0xA880  }
0x1b0: {  	[tilespmem:s28], [sflag:$0x1] =	stream.indirect_vreg.gather [hbm4b:s8+s3], $0x80, v4, vm0, $0xb8;
	[tilespmem:$0x10080] =	vst v63  }
0x1b1: {  	s22 =	simm.s32 $0xB080;
	v3 =	vadd.s32 v1, v3  }
0x1b2: {  	[tilespmem:s22], [sflag:$0x1] =	stream.indirect_vreg.gather [hbm4b:s9+s3], $0x80, v4, vm0, $0xb8;
	[tilespmem:$0x10080] =	vst v63  }
0x1b3: {  	s18 =	simm.s32 $0xB880  }
0x1b4: {  	[tilespmem:s18], [sflag:$0x1] =	stream.indirect_vreg.gather [hbm4b:s10+s3], $0x80, v4, vm0, $0xb8;
	[tilespmem:$0x10080] =	vst v63  }
0x1b5: {  	s19 =	simm.s32 $0xC080  }
0x1b6: {  	[tilespmem:s19], [sflag:$0x1] =	stream.indirect_vreg.gather [hbm4b:s1+s3], $0x80, v3, vm0, $0xb8;
	[tilespmem:$0x10080] =	vst v63  }
0x1b7: {  	s24 =	simm.s32 $0xC880  }
0x1b8: {  	[tilespmem:s24], [sflag:$0x1] =	stream.indirect_vreg.gather [hbm4b:s4+s3], $0x80, v3, vm0, $0xb8;
	[tilespmem:$0x10080] =	vst v63  }
0x1b9: {  	s28 =	simm.s32 $0xD080  }
0x1ba: {  	[tilespmem:s28], [sflag:$0x1] =	stream.indirect_vreg.gather [hbm4b:s5+s3], $0x80, v3, vm0, $0xb8;
	[tilespmem:$0x10080] =	vst v63  }
0x1bb: {  	s28 =	simm.s32 $0xD880  }
0x1bc: {  	[tilespmem:s28], [sflag:$0x1] =	stream.indirect_vreg.gather [hbm4b:s6+s3], $0x80, v3, vm0, $0xb8;
	[tilespmem:$0x10080] =	vst v63  }
0x1bd: {  	s28 =	simm.s32 $0xE080  }
0x1be: {  	[tilespmem:s28], [sflag:$0x1] =	stream.indirect_vreg.gather [hbm4b:s7+s3], $0x80, v3, vm0, $0xb8;
	[tilespmem:$0x10080] =	vst v63  }
0x1bf: {  	s28 =	simm.s32 $0xE880  }
0x1c0: {  	[tilespmem:s28], [sflag:$0x1] =	stream.indirect_vreg.gather [hbm4b:s8+s3], $0x80, v3, vm0, $0xb8;
	[tilespmem:$0x10080] =	vst v63  }
0x1c1: {  	s28 =	simm.s32 $0xF080  }
0x1c2: {  	[tilespmem:s28], [sflag:$0x1] =	stream.indirect_vreg.gather [hbm4b:s9+s3], $0x80, v3, vm0, $0xb8;
	[tilespmem:$0x10080] =	vst v63  }
0x1c3: {  	s20 =	simm.s32 $0xF880  }
0x1c4: {  	[tilespmem:s20], [sflag:$0x1] =	stream.indirect_vreg.gather [hbm4b:s10+s3], $0x80, v3, vm0, $0xb8;
	[tilespmem:$0x10080] =	vst v63  }
0x1c5: {  	_ =	swait.ge [sflag:s26], $0x10000  }
0x1c6: {  	[sflag:s26] =	ssyncset.done $0x0  }
0x1c7: {  	s28 =	rddreg [dreg:$0xd];
	[sflag:s26] =	ssyncadd.s32 $0xFFFF0000  }
0x1c8: {  	[hbm4b:s28+s3] =	stream.linear.scatter [tilespmem:s13], [sflag:$0x2], $0x10000, $0x38;
	[tilespmem:$0x10080] =	vst v63  }
0x1c9: {  	_ =	swait.ge [sflag:s12], $0x10000  }
0x1ca: {  	[sflag:s12] =	ssyncset.done $0x0  }
0x1cb: {  	s28 =	rddreg [dreg:$0xe];
	[sflag:s12] =	ssyncadd.s32 $0xFFFF0000  }
0x1cc: {  	[tilespmem:s3], [sflag:$0x2] =	stream.linear.gather [hbm4b:s28+s3], $0x20, $0x38;
	[tilespmem:$0x10080] =	vst v63  }
0x1cd: {  	_ =	swait.ge [sflag:s12], $0x20  }
0x1ce: {  	[sflag:s12] =	ssyncset.done $0x0  }
0x1cf: {  	[sflag:s12] =	ssyncadd.s32 $0xFFFFFFE0  }
0x1d0: {  	v3 =	vld [tilespmem:$0x0];
	_ =	sdelay $0x4  }
0x1d1: {  	v58 =	vshll.u32 v3, $0x4  }
0x1d2: {  	v3 =	vand.u32 $0x7, v3;
	v4 =	vand.u32 $0xFFFFFF80, v58  }
0x1d3: {  	v3 =	vor.u32 v3, v4  }
0x1d4: {  	v4 =	vperm.xlane v3, v0;
	_ =	sdelay $0x1  }
0x1d5: {  	v4 =	vadd.s32 v1, v4;
	_ =	sdelay $0x4  }
0x1d6: {  	[tilespmem:s13], [sflag:$0x1] =	stream.indirect_vreg.gather [hbm4b:s1+s3], $0x80, v4, vm0, $0xb8;
	[tilespmem:$0x10080] =	vst v63  }
0x1d7: {  	s28 =	simm.s32 $0x880  }
0x1d8: {  	[tilespmem:s28], [sflag:$0x1] =	stream.indirect_vreg.gather [hbm4b:s4+s3], $0x80, v4, vm0, $0xb8;
	[tilespmem:$0x10080] =	vst v63  }
0x1d9: {  	s28 =	simm.s32 $0x1080  }
0x1da: {  	[tilespmem:s28], [sflag:$0x1] =	stream.indirect_vreg.gather [hbm4b:s5+s3], $0x80, v4, vm0, $0xb8;
	[tilespmem:$0x10080] =	vst v63  }
0x1db: {  	s28 =	simm.s32 $0x1880  }
0x1dc: {  	[tilespmem:s28], [sflag:$0x1] =	stream.indirect_vreg.gather [hbm4b:s6+s3], $0x80, v4, vm0, $0xb8;
	[tilespmem:$0x10080] =	vst v63  }
0x1dd: {  	s28 =	simm.s32 $0x2080  }
0x1de: {  	[tilespmem:s28], [sflag:$0x1] =	stream.indirect_vreg.gather [hbm4b:s7+s3], $0x80, v4, vm0, $0xb8;
	[tilespmem:$0x10080] =	vst v63  }
0x1df: {  	v3 =	vperm.xlane v3, v2;
	s28 =	simm.s32 $0x2880  }
0x1e0: {  	[tilespmem:s28], [sflag:$0x1] =	stream.indirect_vreg.gather [hbm4b:s8+s3], $0x80, v4, vm0, $0xb8;
	[tilespmem:$0x10080] =	vst v63  }
0x1e1: {  	s0 =	simm.s32 $0x3080;
	v3 =	vadd.s32 v1, v3  }
0x1e2: {  	[tilespmem:s0], [sflag:$0x1] =	stream.indirect_vreg.gather [hbm4b:s9+s3], $0x80, v4, vm0, $0xb8;
	[tilespmem:$0x10080] =	vst v63  }
0x1e3: {  	s2 =	simm.s32 $0x3880  }
0x1e4: {  	[tilespmem:s2], [sflag:$0x1] =	stream.indirect_vreg.gather [hbm4b:s10+s3], $0x80, v4, vm0, $0xb8;
	[tilespmem:$0x10080] =	vst v63  }
0x1e5: {  	s11 =	simm.s32 $0x4080  }
0x1e6: {  	[tilespmem:s11], [sflag:$0x1] =	stream.indirect_vreg.gather [hbm4b:s1+s3], $0x80, v3, vm0, $0xb8;
	[tilespmem:$0x10080] =	vst v63  }
0x1e7: {  	s25 =	simm.s32 $0x4880  }
0x1e8: {  	[tilespmem:s25], [sflag:$0x1] =	stream.indirect_vreg.gather [hbm4b:s4+s3], $0x80, v3, vm0, $0xb8;
	[tilespmem:$0x10080] =	vst v63  }
0x1e9: {  	s29 =	simm.s32 $0x5080  }
0x1ea: {  	[tilespmem:s29], [sflag:$0x1] =	stream.indirect_vreg.gather [hbm4b:s5+s3], $0x80, v3, vm0, $0xb8;
	[tilespmem:$0x10080] =	vst v63  }
0x1eb: {  	s30 =	simm.s32 $0x5880  }
0x1ec: {  	[tilespmem:s30], [sflag:$0x1] =	stream.indirect_vreg.gather [hbm4b:s6+s3], $0x80, v3, vm0, $0xb8;
	[tilespmem:$0x10080] =	vst v63  }
0x1ed: {  	s31 =	simm.s32 $0x6080  }
0x1ee: {  	[tilespmem:s31], [sflag:$0x1] =	stream.indirect_vreg.gather [hbm4b:s7+s3], $0x80, v3, vm0, $0xb8;
	[tilespmem:$0x10080] =	vst v63  }
0x1ef: {  	s14 =	simm.s32 $0x6880  }
0x1f0: {  	[tilespmem:s14], [sflag:$0x1] =	stream.indirect_vreg.gather [hbm4b:s8+s3], $0x80, v3, vm0, $0xb8;
	[tilespmem:$0x10080] =	vst v63  }
0x1f1: {  	s15 =	simm.s32 $0x7080  }
0x1f2: {  	[tilespmem:s15], [sflag:$0x1] =	stream.indirect_vreg.gather [hbm4b:s9+s3], $0x80, v3, vm0, $0xb8;
	[tilespmem:$0x10080] =	vst v63  }
0x1f3: {  	s28 =	simm.s32 $0x7880  }
0x1f4: {  	[tilespmem:s28], [sflag:$0x1] =	stream.indirect_vreg.gather [hbm4b:s10+s3], $0x80, v3, vm0, $0xb8;
	[tilespmem:$0x10080] =	vst v63  }
0x1f5: {  	v3 =	vld [tilespmem:$0x10];
	_ =	sdelay $0x4  }
0x1f6: {  	v59 =	vshll.u32 v3, $0x4  }
0x1f7: {  	v3 =	vand.u32 $0x7, v3;
	v4 =	vand.u32 $0xFFFFFF80, v59  }
0x1f8: {  	v3 =	vor.u32 v3, v4  }
0x1f9: {  	v4 =	vperm.xlane v3, v0;
	_ =	sdelay $0x1  }
0x1fa: {  	v4 =	vadd.s32 v1, v4;
	_ =	sdelay $0x3  }
0x1fb: {  	s16 =	simm.s32 $0x8080  }
0x1fc: {  	[tilespmem:s16], [sflag:$0x1] =	stream.indirect_vreg.gather [hbm4b:s1+s3], $0x80, v4, vm0, $0xb8;
	[tilespmem:$0x10080] =	vst v63  }
0x1fd: {  	s28 =	simm.s32 $0x8880  }
0x1fe: {  	[tilespmem:s28], [sflag:$0x1] =	stream.indirect_vreg.gather [hbm4b:s4+s3], $0x80, v4, vm0, $0xb8;
	[tilespmem:$0x10080] =	vst v63  }
0x1ff: {  	s17 =	simm.s32 $0x9080  }
0x200: {  	[tilespmem:s17], [sflag:$0x1] =	stream.indirect_vreg.gather [hbm4b:s5+s3], $0x80, v4, vm0, $0xb8;
	[tilespmem:$0x10080] =	vst v63  }
0x201: {  	s28 =	simm.s32 $0x9880  }
0x202: {  	[tilespmem:s28], [sflag:$0x1] =	stream.indirect_vreg.gather [hbm4b:s6+s3], $0x80, v4, vm0, $0xb8;
	[tilespmem:$0x10080] =	vst v63  }
0x203: {  	s28 =	simm.s32 $0xA080  }
0x204: {  	[tilespmem:s28], [sflag:$0x1] =	stream.indirect_vreg.gather [hbm4b:s7+s3], $0x80, v4, vm0, $0xb8;
	[tilespmem:$0x10080] =	vst v63  }
0x205: {  	v3 =	vperm.xlane v3, v2;
	s28 =	simm.s32 $0xA880  }
0x206: {  	[tilespmem:s28], [sflag:$0x1] =	stream.indirect_vreg.gather [hbm4b:s8+s3], $0x80, v4, vm0, $0xb8;
	[tilespmem:$0x10080] =	vst v63  }
0x207: {  	s23 =	simm.s32 $0xB080;
	v3 =	vadd.s32 v1, v3  }
0x208: {  	[tilespmem:s23], [sflag:$0x1] =	stream.indirect_vreg.gather [hbm4b:s9+s3], $0x80, v4, vm0, $0xb8;
	[tilespmem:$0x10080] =	vst v63  }
0x209: {  	s18 =	simm.s32 $0xB880  }
0x20a: {  	[tilespmem:s18], [sflag:$0x1] =	stream.indirect_vreg.gather [hbm4b:s10+s3], $0x80, v4, vm0, $0xb8;
	[tilespmem:$0x10080] =	vst v63  }
0x20b: {  	s19 =	simm.s32 $0xC080  }
0x20c: {  	[tilespmem:s19], [sflag:$0x1] =	stream.indirect_vreg.gather [hbm4b:s1+s3], $0x80, v3, vm0, $0xb8;
	[tilespmem:$0x10080] =	vst v63  }
0x20d: {  	s22 =	simm.s32 $0xC880  }
0x20e: {  	[tilespmem:s22], [sflag:$0x1] =	stream.indirect_vreg.gather [hbm4b:s4+s3], $0x80, v3, vm0, $0xb8;
	[tilespmem:$0x10080] =	vst v63  }
0x20f: {  	s24 =	simm.s32 $0xD080  }
0x210: {  	[tilespmem:s24], [sflag:$0x1] =	stream.indirect_vreg.gather [hbm4b:s5+s3], $0x80, v3, vm0, $0xb8;
	[tilespmem:$0x10080] =	vst v63  }
0x211: {  	s24 =	simm.s32 $0xD880  }
0x212: {  	[tilespmem:s24], [sflag:$0x1] =	stream.indirect_vreg.gather [hbm4b:s6+s3], $0x80, v3, vm0, $0xb8;
	[tilespmem:$0x10080] =	vst v63  }
0x213: {  	s28 =	simm.s32 $0xE080  }
0x214: {  	[tilespmem:s28], [sflag:$0x1] =	stream.indirect_vreg.gather [hbm4b:s7+s3], $0x80, v3, vm0, $0xb8;
	[tilespmem:$0x10080] =	vst v63  }
0x215: {  	s24 =	simm.s32 $0xE880  }
0x216: {  	[tilespmem:s24], [sflag:$0x1] =	stream.indirect_vreg.gather [hbm4b:s8+s3], $0x80, v3, vm0, $0xb8;
	[tilespmem:$0x10080] =	vst v63  }
0x217: {  	s28 =	simm.s32 $0xF080  }
0x218: {  	[tilespmem:s28], [sflag:$0x1] =	stream.indirect_vreg.gather [hbm4b:s9+s3], $0x80, v3, vm0, $0xb8;
	[tilespmem:$0x10080] =	vst v63  }
0x219: {  	s20 =	simm.s32 $0xF880  }
0x21a: {  	[tilespmem:s20], [sflag:$0x1] =	stream.indirect_vreg.gather [hbm4b:s10+s3], $0x80, v3, vm0, $0xb8;
	[tilespmem:$0x10080] =	vst v63  }
0x21b: {  	_ =	swait.ge [sflag:s26], $0x10000  }
0x21c: {  	[sflag:s26] =	ssyncset.done $0x0  }
0x21d: {  	s22 =	rddreg [dreg:$0xf];
	[sflag:s26] =	ssyncadd.s32 $0xFFFF0000  }
0x21e: {  	[hbm4b:s22+s3] =	stream.linear.scatter [tilespmem:s13], [sflag:$0x2], $0x10000, $0x38;
	[tilespmem:$0x10080] =	vst v63  }
0x21f: {  	_ =	swait.ge [sflag:s12], $0x10000  }
0x220: {  	[sflag:s12] =	ssyncset.done $0x0  }
0x221: {  	s24 =	rddreg [dreg:$0x10];
	[sflag:s12] =	ssyncadd.s32 $0xFFFF0000  }
0x222: {  	[tilespmem:s3], [sflag:$0x2] =	stream.linear.gather [hbm4b:s24+s3], $0x20, $0x38;
	[tilespmem:$0x10080] =	vst v63  }
0x223: {  	_ =	swait.ge [sflag:s12], $0x20  }
0x224: {  	[sflag:s12] =	ssyncset.done $0x0  }
0x225: {  	[sflag:s12] =	ssyncadd.s32 $0xFFFFFFE0  }
0x226: {  	v3 =	vld [tilespmem:$0x0];
	_ =	sdelay $0x4  }
0x227: {  	v60 =	vshll.u32 v3, $0x4  }
0x228: {  	v3 =	vand.u32 $0x7, v3;
	v4 =	vand.u32 $0xFFFFFF80, v60  }
0x229: {  	v3 =	vor.u32 v3, v4  }
0x22a: {  	v4 =	vperm.xlane v3, v0;
	_ =	sdelay $0x1  }
0x22b: {  	v4 =	vadd.s32 v1, v4;
	_ =	sdelay $0x4  }
0x22c: {  	[tilespmem:s13], [sflag:$0x1] =	stream.indirect_vreg.gather [hbm4b:s1+s3], $0x80, v4, vm0, $0xb8;
	[tilespmem:$0x10080] =	vst v63  }
0x22d: {  	s28 =	simm.s32 $0x880  }
0x22e: {  	[tilespmem:s28], [sflag:$0x1] =	stream.indirect_vreg.gather [hbm4b:s4+s3], $0x80, v4, vm0, $0xb8;
	[tilespmem:$0x10080] =	vst v63  }
0x22f: {  	s22 =	simm.s32 $0x1080  }
0x230: {  	[tilespmem:s22], [sflag:$0x1] =	stream.indirect_vreg.gather [hbm4b:s5+s3], $0x80, v4, vm0, $0xb8;
	[tilespmem:$0x10080] =	vst v63  }
0x231: {  	s24 =	simm.s32 $0x1880  }
0x232: {  	[tilespmem:s24], [sflag:$0x1] =	stream.indirect_vreg.gather [hbm4b:s6+s3], $0x80, v4, vm0, $0xb8;
	[tilespmem:$0x10080] =	vst v63  }
0x233: {  	s28 =	simm.s32 $0x2080  }
0x234: {  	[tilespmem:s28], [sflag:$0x1] =	stream.indirect_vreg.gather [hbm4b:s7+s3], $0x80, v4, vm0, $0xb8;
	[tilespmem:$0x10080] =	vst v63  }
0x235: {  	v3 =	vperm.xlane v3, v2;
	s22 =	simm.s32 $0x2880  }
0x236: {  	[tilespmem:s22], [sflag:$0x1] =	stream.indirect_vreg.gather [hbm4b:s8+s3], $0x80, v4, vm0, $0xb8;
	[tilespmem:$0x10080] =	vst v63  }
0x237: {  	s0 =	simm.s32 $0x3080;
	v3 =	vadd.s32 v1, v3  }
0x238: {  	[tilespmem:s0], [sflag:$0x1] =	stream.indirect_vreg.gather [hbm4b:s9+s3], $0x80, v4, vm0, $0xb8;
	[tilespmem:$0x10080] =	vst v63  }
0x239: {  	s2 =	simm.s32 $0x3880  }
0x23a: {  	[tilespmem:s2], [sflag:$0x1] =	stream.indirect_vreg.gather [hbm4b:s10+s3], $0x80, v4, vm0, $0xb8;
	[tilespmem:$0x10080] =	vst v63  }
0x23b: {  	s11 =	simm.s32 $0x4080  }
0x23c: {  	[tilespmem:s11], [sflag:$0x1] =	stream.indirect_vreg.gather [hbm4b:s1+s3], $0x80, v3, vm0, $0xb8;
	[tilespmem:$0x10080] =	vst v63  }
0x23d: {  	s25 =	simm.s32 $0x4880  }
0x23e: {  	[tilespmem:s25], [sflag:$0x1] =	stream.indirect_vreg.gather [hbm4b:s4+s3], $0x80, v3, vm0, $0xb8;
	[tilespmem:$0x10080] =	vst v63  }
0x23f: {  	s29 =	simm.s32 $0x5080  }
0x240: {  	[tilespmem:s29], [sflag:$0x1] =	stream.indirect_vreg.gather [hbm4b:s5+s3], $0x80, v3, vm0, $0xb8;
	[tilespmem:$0x10080] =	vst v63  }
0x241: {  	s30 =	simm.s32 $0x5880  }
0x242: {  	[tilespmem:s30], [sflag:$0x1] =	stream.indirect_vreg.gather [hbm4b:s6+s3], $0x80, v3, vm0, $0xb8;
	[tilespmem:$0x10080] =	vst v63  }
0x243: {  	s31 =	simm.s32 $0x6080  }
0x244: {  	[tilespmem:s31], [sflag:$0x1] =	stream.indirect_vreg.gather [hbm4b:s7+s3], $0x80, v3, vm0, $0xb8;
	[tilespmem:$0x10080] =	vst v63  }
0x245: {  	s14 =	simm.s32 $0x6880  }
0x246: {  	[tilespmem:s14], [sflag:$0x1] =	stream.indirect_vreg.gather [hbm4b:s8+s3], $0x80, v3, vm0, $0xb8;
	[tilespmem:$0x10080] =	vst v63  }
0x247: {  	s15 =	simm.s32 $0x7080  }
0x248: {  	[tilespmem:s15], [sflag:$0x1] =	stream.indirect_vreg.gather [hbm4b:s9+s3], $0x80, v3, vm0, $0xb8;
	[tilespmem:$0x10080] =	vst v63  }
0x249: {  	s24 =	simm.s32 $0x7880  }
0x24a: {  	[tilespmem:s24], [sflag:$0x1] =	stream.indirect_vreg.gather [hbm4b:s10+s3], $0x80, v3, vm0, $0xb8;
	[tilespmem:$0x10080] =	vst v63  }
0x24b: {  	v3 =	vld [tilespmem:$0x10];
	_ =	sdelay $0x4  }
0x24c: {  	v61 =	vshll.u32 v3, $0x4  }
0x24d: {  	v3 =	vand.u32 $0x7, v3;
	v4 =	vand.u32 $0xFFFFFF80, v61  }
0x24e: {  	v3 =	vor.u32 v3, v4  }
0x24f: {  	v4 =	vperm.xlane v3, v0;
	_ =	sdelay $0x1  }
0x250: {  	v4 =	vadd.s32 v1, v4;
	_ =	sdelay $0x3  }
0x251: {  	s16 =	simm.s32 $0x8080  }
0x252: {  	[tilespmem:s16], [sflag:$0x1] =	stream.indirect_vreg.gather [hbm4b:s1+s3], $0x80, v4, vm0, $0xb8;
	[tilespmem:$0x10080] =	vst v63  }
0x253: {  	s28 =	simm.s32 $0x8880  }
0x254: {  	[tilespmem:s28], [sflag:$0x1] =	stream.indirect_vreg.gather [hbm4b:s4+s3], $0x80, v4, vm0, $0xb8;
	[tilespmem:$0x10080] =	vst v63  }
0x255: {  	s17 =	simm.s32 $0x9080  }
0x256: {  	[tilespmem:s17], [sflag:$0x1] =	stream.indirect_vreg.gather [hbm4b:s5+s3], $0x80, v4, vm0, $0xb8;
	[tilespmem:$0x10080] =	vst v63  }
0x257: {  	s24 =	simm.s32 $0x9880  }
0x258: {  	[tilespmem:s24], [sflag:$0x1] =	stream.indirect_vreg.gather [hbm4b:s6+s3], $0x80, v4, vm0, $0xb8;
	[tilespmem:$0x10080] =	vst v63  }
0x259: {  	s28 =	simm.s32 $0xA080  }
0x25a: {  	[tilespmem:s28], [sflag:$0x1] =	stream.indirect_vreg.gather [hbm4b:s7+s3], $0x80, v4, vm0, $0xb8;
	[tilespmem:$0x10080] =	vst v63  }
0x25b: {  	v3 =	vperm.xlane v3, v2;
	s28 =	simm.s32 $0xA880  }
0x25c: {  	[tilespmem:s28], [sflag:$0x1] =	stream.indirect_vreg.gather [hbm4b:s8+s3], $0x80, v4, vm0, $0xb8;
	[tilespmem:$0x10080] =	vst v63  }
0x25d: {  	v3 =	vadd.s32 v1, v3;
	s24 =	simm.s32 $0xB080  }
0x25e: {  	[tilespmem:s24], [sflag:$0x1] =	stream.indirect_vreg.gather [hbm4b:s9+s3], $0x80, v4, vm0, $0xb8;
	[tilespmem:$0x10080] =	vst v63  }
0x25f: {  	s18 =	simm.s32 $0xB880  }
0x260: {  	[tilespmem:s18], [sflag:$0x1] =	stream.indirect_vreg.gather [hbm4b:s10+s3], $0x80, v4, vm0, $0xb8;
	[tilespmem:$0x10080] =	vst v63  }
0x261: {  	s19 =	simm.s32 $0xC080  }
0x262: {  	[tilespmem:s19], [sflag:$0x1] =	stream.indirect_vreg.gather [hbm4b:s1+s3], $0x80, v3, vm0, $0xb8;
	[tilespmem:$0x10080] =	vst v63  }
0x263: {  	s23 =	simm.s32 $0xC880  }
0x264: {  	[tilespmem:s23], [sflag:$0x1] =	stream.indirect_vreg.gather [hbm4b:s4+s3], $0x80, v3, vm0, $0xb8;
	[tilespmem:$0x10080] =	vst v63  }
0x265: {  	s28 =	simm.s32 $0xD080  }
0x266: {  	[tilespmem:s28], [sflag:$0x1] =	stream.indirect_vreg.gather [hbm4b:s5+s3], $0x80, v3, vm0, $0xb8;
	[tilespmem:$0x10080] =	vst v63  }
0x267: {  	s28 =	simm.s32 $0xD880  }
0x268: {  	[tilespmem:s28], [sflag:$0x1] =	stream.indirect_vreg.gather [hbm4b:s6+s3], $0x80, v3, vm0, $0xb8;
	[tilespmem:$0x10080] =	vst v63  }
0x269: {  	s28 =	simm.s32 $0xE080  }
0x26a: {  	[tilespmem:s28], [sflag:$0x1] =	stream.indirect_vreg.gather [hbm4b:s7+s3], $0x80, v3, vm0, $0xb8;
	[tilespmem:$0x10080] =	vst v63  }
0x26b: {  	s28 =	simm.s32 $0xE880  }
0x26c: {  	[tilespmem:s28], [sflag:$0x1] =	stream.indirect_vreg.gather [hbm4b:s8+s3], $0x80, v3, vm0, $0xb8;
	[tilespmem:$0x10080] =	vst v63  }
0x26d: {  	s28 =	simm.s32 $0xF080  }
0x26e: {  	[tilespmem:s28], [sflag:$0x1] =	stream.indirect_vreg.gather [hbm4b:s9+s3], $0x80, v3, vm0, $0xb8;
	[tilespmem:$0x10080] =	vst v63  }
0x26f: {  	s28 =	simm.s32 $0xF880  }
0x270: {  	[tilespmem:s28], [sflag:$0x1] =	stream.indirect_vreg.gather [hbm4b:s10+s3], $0x80, v3, vm0, $0xb8;
	[tilespmem:$0x10080] =	vst v63  }
0x271: {  	_ =	swait.ge [sflag:s26], $0x10000  }
0x272: {  	[sflag:s26] =	ssyncset.done $0x0  }
0x273: {  	s28 =	rddreg [dreg:$0x11];
	[sflag:s26] =	ssyncadd.s32 $0xFFFF0000  }
0x274: {  	[hbm4b:s28+s3] =	stream.linear.scatter [tilespmem:s13], [sflag:$0x2], $0x10000, $0x38;
	[tilespmem:$0x10080] =	vst v63  }
0x275: {  	_ =	swait.ge [sflag:s12], $0x10000  }
0x276: {  	[sflag:s12] =	ssyncset.done $0x0  }
0x277: {  	s28 =	rddreg [dreg:$0x12];
	[sflag:s12] =	ssyncadd.s32 $0xFFFF0000  }
0x278: {  	[tilespmem:s3], [sflag:$0x2] =	stream.linear.gather [hbm4b:s28+s3], $0x20, $0x38;
	[tilespmem:$0x10080] =	vst v63  }
0x279: {  	_ =	swait.ge [sflag:s12], $0x20  }
0x27a: {  	[sflag:s12] =	ssyncset.done $0x0  }
0x27b: {  	[sflag:s12] =	ssyncadd.s32 $0xFFFFFFE0  }
0x27c: {  	v3 =	vld [tilespmem:$0x0];
	_ =	sdelay $0x4  }
0x27d: {  	v62 =	vshll.u32 v3, $0x4  }
0x27e: {  	v3 =	vand.u32 $0x7, v3;
	v4 =	vand.u32 $0xFFFFFF80, v62  }
0x27f: {  	v3 =	vor.u32 v3, v4  }
0x280: {  	v4 =	vperm.xlane v3, v0;
	_ =	sdelay $0x1  }
0x281: {  	v4 =	vadd.s32 v1, v4;
	_ =	sdelay $0x4  }
0x282: {  	[tilespmem:s13], [sflag:$0x1] =	stream.indirect_vreg.gather [hbm4b:s1+s3], $0x80, v4, vm0, $0xb8;
	[tilespmem:$0x10080] =	vst v63  }
0x283: {  	s28 =	simm.s32 $0x880  }
0x284: {  	[tilespmem:s28], [sflag:$0x1] =	stream.indirect_vreg.gather [hbm4b:s4+s3], $0x80, v4, vm0, $0xb8;
	[tilespmem:$0x10080] =	vst v63  }
0x285: {  	s28 =	simm.s32 $0x1080  }
0x286: {  	[tilespmem:s28], [sflag:$0x1] =	stream.indirect_vreg.gather [hbm4b:s5+s3], $0x80, v4, vm0, $0xb8;
	[tilespmem:$0x10080] =	vst v63  }
0x287: {  	s28 =	simm.s32 $0x1880  }
0x288: {  	[tilespmem:s28], [sflag:$0x1] =	stream.indirect_vreg.gather [hbm4b:s6+s3], $0x80, v4, vm0, $0xb8;
	[tilespmem:$0x10080] =	vst v63  }
0x289: {  	s28 =	simm.s32 $0x2080  }
0x28a: {  	[tilespmem:s28], [sflag:$0x1] =	stream.indirect_vreg.gather [hbm4b:s7+s3], $0x80, v4, vm0, $0xb8;
	[tilespmem:$0x10080] =	vst v63  }
0x28b: {  	v3 =	vperm.xlane v3, v2;
	s28 =	simm.s32 $0x2880  }
0x28c: {  	[tilespmem:s28], [sflag:$0x1] =	stream.indirect_vreg.gather [hbm4b:s8+s3], $0x80, v4, vm0, $0xb8;
	[tilespmem:$0x10080] =	vst v63  }
0x28d: {  	s0 =	simm.s32 $0x3080;
	v3 =	vadd.s32 v1, v3  }
0x28e: {  	[tilespmem:s0], [sflag:$0x1] =	stream.indirect_vreg.gather [hbm4b:s9+s3], $0x80, v4, vm0, $0xb8;
	[tilespmem:$0x10080] =	vst v63  }
0x28f: {  	s2 =	simm.s32 $0x3880  }
0x290: {  	[tilespmem:s2], [sflag:$0x1] =	stream.indirect_vreg.gather [hbm4b:s10+s3], $0x80, v4, vm0, $0xb8;
	[tilespmem:$0x10080] =	vst v63  }
0x291: {  	s11 =	simm.s32 $0x4080  }
0x292: {  	[tilespmem:s11], [sflag:$0x1] =	stream.indirect_vreg.gather [hbm4b:s1+s3], $0x80, v3, vm0, $0xb8;
	[tilespmem:$0x10080] =	vst v63  }
0x293: {  	s20 =	simm.s32 $0x4880  }
0x294: {  	[tilespmem:s20], [sflag:$0x1] =	stream.indirect_vreg.gather [hbm4b:s4+s3], $0x80, v3, vm0, $0xb8;
	[tilespmem:$0x10080] =	vst v63  }
0x295: {  	s25 =	simm.s32 $0x5080  }
0x296: {  	[tilespmem:s25], [sflag:$0x1] =	stream.indirect_vreg.gather [hbm4b:s5+s3], $0x80, v3, vm0, $0xb8;
	[tilespmem:$0x10080] =	vst v63  }
0x297: {  	s29 =	simm.s32 $0x5880  }
0x298: {  	[tilespmem:s29], [sflag:$0x1] =	stream.indirect_vreg.gather [hbm4b:s6+s3], $0x80, v3, vm0, $0xb8;
	[tilespmem:$0x10080] =	vst v63  }
0x299: {  	s30 =	simm.s32 $0x6080  }
0x29a: {  	[tilespmem:s30], [sflag:$0x1] =	stream.indirect_vreg.gather [hbm4b:s7+s3], $0x80, v3, vm0, $0xb8;
	[tilespmem:$0x10080] =	vst v63  }
0x29b: {  	s14 =	simm.s32 $0x6880  }
0x29c: {  	[tilespmem:s14], [sflag:$0x1] =	stream.indirect_vreg.gather [hbm4b:s8+s3], $0x80, v3, vm0, $0xb8;
	[tilespmem:$0x10080] =	vst v63  }
0x29d: {  	s15 =	simm.s32 $0x7080  }
0x29e: {  	[tilespmem:s15], [sflag:$0x1] =	stream.indirect_vreg.gather [hbm4b:s9+s3], $0x80, v3, vm0, $0xb8;
	[tilespmem:$0x10080] =	vst v63  }
0x29f: {  	s31 =	simm.s32 $0x7880  }
0x2a0: {  	[tilespmem:s31], [sflag:$0x1] =	stream.indirect_vreg.gather [hbm4b:s10+s3], $0x80, v3, vm0, $0xb8;
	[tilespmem:$0x10080] =	vst v63  }
0x2a1: {  	v3 =	vld [tilespmem:$0x10];
	_ =	sdelay $0x4  }
0x2a2: {  	v63 =	vshll.u32 v3, $0x4  }
0x2a3: {  	v3 =	vand.u32 $0x7, v3;
	v4 =	vand.u32 $0xFFFFFF80, v63  }
0x2a4: {  	v3 =	vor.u32 v3, v4  }
0x2a5: {  	v4 =	vperm.xlane v3, v0;
	_ =	sdelay $0x1  }
0x2a6: {  	v4 =	vadd.s32 v1, v4;
	_ =	sdelay $0x3  }
0x2a7: {  	s16 =	simm.s32 $0x8080  }
0x2a8: {  	[tilespmem:s16], [sflag:$0x1] =	stream.indirect_vreg.gather [hbm4b:s1+s3], $0x80, v4, vm0, $0xb8;
	[tilespmem:$0x10080] =	vst v63  }
0x2a9: {  	s16 =	simm.s32 $0x8880  }
0x2aa: {  	[tilespmem:s16], [sflag:$0x1] =	stream.indirect_vreg.gather [hbm4b:s4+s3], $0x80, v4, vm0, $0xb8;
	[tilespmem:$0x10080] =	vst v63  }
0x2ab: {  	s17 =	simm.s32 $0x9080  }
0x2ac: {  	[tilespmem:s17], [sflag:$0x1] =	stream.indirect_vreg.gather [hbm4b:s5+s3], $0x80, v4, vm0, $0xb8;
	[tilespmem:$0x10080] =	vst v63  }
0x2ad: {  	s22 =	simm.s32 $0x9880  }
0x2ae: {  	[tilespmem:s22], [sflag:$0x1] =	stream.indirect_vreg.gather [hbm4b:s6+s3], $0x80, v4, vm0, $0xb8;
	[tilespmem:$0x10080] =	vst v63  }
0x2af: {  	s20 =	simm.s32 $0xA080  }
0x2b0: {  	[tilespmem:s20], [sflag:$0x1] =	stream.indirect_vreg.gather [hbm4b:s7+s3], $0x80, v4, vm0, $0xb8;
	[tilespmem:$0x10080] =	vst v63  }
0x2b1: {  	v3 =	vperm.xlane v3, v2;
	s22 =	simm.s32 $0xA880  }
0x2b2: {  	[tilespmem:s22], [sflag:$0x1] =	stream.indirect_vreg.gather [hbm4b:s8+s3], $0x80, v4, vm0, $0xb8;
	[tilespmem:$0x10080] =	vst v63  }
0x2b3: {  	s24 =	simm.s32 $0xB080;
	v3 =	vadd.s32 v1, v3  }
0x2b4: {  	[tilespmem:s24], [sflag:$0x1] =	stream.indirect_vreg.gather [hbm4b:s9+s3], $0x80, v4, vm0, $0xb8;
	[tilespmem:$0x10080] =	vst v63  }
0x2b5: {  	s18 =	simm.s32 $0xB880  }
0x2b6: {  	[tilespmem:s18], [sflag:$0x1] =	stream.indirect_vreg.gather [hbm4b:s10+s3], $0x80, v4, vm0, $0xb8;
	[tilespmem:$0x10080] =	vst v63  }
0x2b7: {  	s19 =	simm.s32 $0xC080  }
0x2b8: {  	[tilespmem:s19], [sflag:$0x1] =	stream.indirect_vreg.gather [hbm4b:s1+s3], $0x80, v3, vm0, $0xb8;
	[tilespmem:$0x10080] =	vst v63  }
0x2b9: {  	s23 =	simm.s32 $0xC880  }
0x2ba: {  	[tilespmem:s23], [sflag:$0x1] =	stream.indirect_vreg.gather [hbm4b:s4+s3], $0x80, v3, vm0, $0xb8;
	[tilespmem:$0x10080] =	vst v63  }
0x2bb: {  	s23 =	simm.s32 $0xD080  }
0x2bc: {  	[tilespmem:s23], [sflag:$0x1] =	stream.indirect_vreg.gather [hbm4b:s5+s3], $0x80, v3, vm0, $0xb8;
	[tilespmem:$0x10080] =	vst v63  }
0x2bd: {  	s24 =	simm.s32 $0xD880  }
0x2be: {  	[tilespmem:s24], [sflag:$0x1] =	stream.indirect_vreg.gather [hbm4b:s6+s3], $0x80, v3, vm0, $0xb8;
	[tilespmem:$0x10080] =	vst v63  }
0x2bf: {  	s25 =	simm.s32 $0xE080  }
0x2c0: {  	[tilespmem:s25], [sflag:$0x1] =	stream.indirect_vreg.gather [hbm4b:s7+s3], $0x80, v3, vm0, $0xb8;
	[tilespmem:$0x10080] =	vst v63  }
0x2c1: {  	s28 =	simm.s32 $0xE880  }
0x2c2: {  	[tilespmem:s28], [sflag:$0x1] =	stream.indirect_vreg.gather [hbm4b:s8+s3], $0x80, v3, vm0, $0xb8;
	[tilespmem:$0x10080] =	vst v63  }
0x2c3: {  	s29 =	simm.s32 $0xF080  }
0x2c4: {  	[tilespmem:s29], [sflag:$0x1] =	stream.indirect_vreg.gather [hbm4b:s9+s3], $0x80, v3, vm0, $0xb8;
	[tilespmem:$0x10080] =	vst v63  }
0x2c5: {  	s30 =	simm.s32 $0xF880  }
0x2c6: {  	[tilespmem:s30], [sflag:$0x1] =	stream.indirect_vreg.gather [hbm4b:s10+s3], $0x80, v3, vm0, $0xb8;
	[tilespmem:$0x10080] =	vst v63  }
0x2c7: {  	_ =	swait.ge [sflag:s26], $0x10000  }
0x2c8: {  	p0 =	sne.s32 s21, $0x1;
	[sflag:s26] =	ssyncset.done $0x0  }
.Ltmp0:
0x2c9: {  	s31 =	rddreg [dreg:$0x13];
	[sflag:s26] =	ssyncadd.s32 $0xFFFF0000;
	(pc) =	sbr.rel @p0 .LBB2_1-.Ltmp0, $4  }
0x2ca: {  	[hbm4b:s31+s3] =	stream.linear.scatter [tilespmem:s13], [sflag:$0x2], $0x10000, $0x38;
	[tilespmem:$0x10080] =	vst v63  }
0x2cb: {  	_ =	swait.ge [sflag:s12], $0x10000  }
0x2cc: {  	[sflag:s12] =	ssyncset.done $0x0  }
0x2cd: {  	s21 =	sadd.s32 $0xFFFFFFFF, s21;
	[sflag:s12] =	ssyncadd.s32 $0xFFFF0000  }
0x2ce: {  	_ =	sfence.sel $0x180000  }
0x2cf: {  	[bflag:$0x0] =	sbarrier.arrive $0xFFFF  }
0x2d0: {  	_ =	strace $0x90000047  }
0x2d1: {  	s0 =	stileid.u32;
	[bflag:$0x2] =	sbarrier.arrive $0xFFFF  }
0x2d2: {  	p0 =	sne.s32 s0, $0x0;
	s0 =	rddreg [dreg:$0x3]  }
0x2d3: {  	s0 =	sadd.s32 @!p0 $0x100000, s0  }
0x2d4: {  	[sflag:s0] =	ssyncadd.tile.s32 @!p0 $0x1;
	_ =	shalt  }
.Lfunc_end2:
_tile_overlayer_lowered:
.L_overlay_start_2:
0x2d5: {  	(tag) =	ssettag $0x2  }
0x2d6: {  	s0 =	rddreg [dreg:$0x0];
	s2 =	stileid.u32  }
0x2d7: {  	s1 =	rddreg [dreg:$0x1];
	p0 =	sne.s32 s2, $0x0  }
0x2d8: {  	s3 =	rddreg [dreg:$0x2];
	[bflag:$0x3] =	sbarrier.arrive $0xFFFF;
	s2 =	simm.s32 @!p0 $0x1C02  }
0x2d9: {  	[timem:s3], [sflag:s2] =	dma.local @!p0 [hbm:s0], s1  }
0x2da: {  	s0 =	simm.s32 @!p0 $0x2  }
0x2db: {  	_ =	swait.ge @!p0 [sflag:s0], s1  }
0x2dc: {  	s1 =	ssub.s32 @!p0 $0x0, s1;
	[sflag:s0] =	ssyncset.done @!p0 $0x0  }
0x2dd: {  	[sflag:s0] =	ssyncadd.s32 @!p0 s1  }
0x2de: {  	[bflag:$0x3] =	sbarrier.arrive $0xFFFF  }
0x2df: {  	_ =	shalt  }

</sc_bundles>
